<compile_context>
chip_gen: v7x
topology: tpu7x:2x2x1
jax: 0.10.2.dev20260603
libtpu: 0.0.44.dev20260713+nightly
codegen_flags: <defaults>
</compile_context>

<pallas_src>
import functools

import jax
import jax.numpy as jnp
from jax import lax
from jax.experimental import pallas as pl
from jax.experimental.pallas import tpu as pltpu
from jax.experimental.pallas import tpu_sc as plsc

I_DIM = 1000000
O_DIM = 32
WORD_DIM = 64
B, L = 4096, 200
N_TOK = B * L
NW = 32
HALF_TOK = N_TOK // 2
H_PER_W = HALF_TOK // NW
CHUNK = 512
N_CHUNK = H_PER_W // CHUNK
C_ROWS = N_TOK // 4
CH_ROWS = C_ROWS // 2

X_BLK = 32768
QW = X_BLK // 4
N_XBLK = -(-I_DIM // X_BLK)
T_LINES = N_XBLK * QW
T_ROWS = T_LINES * 4


def _table_relayout_tc(table_t):
    def body(t_ref, o_ref):
        eye128 = jnp.eye(128, dtype=jnp.float32)
        tb = t_ref[...]
        acc = None
        for q in range(4):
            part = jax.lax.dot_general(
                tb[:, q * QW:(q + 1) * QW],
                eye128[q * O_DIM:(q + 1) * O_DIM],
                (((0,), (0,)), ((), ())),
                preferred_element_type=jnp.float32,
            )
            acc = part if acc is None else acc + part
        o_ref[...] = acc

    return pl.pallas_call(
        body,
        grid=(N_XBLK,),
        in_specs=[pl.BlockSpec((O_DIM, X_BLK), lambda i: (0, i))],
        out_specs=pl.BlockSpec((QW, 128), lambda i: (i, 0)),
        out_shape=jax.ShapeDtypeStruct((T_LINES, 128), jnp.float32),
        compiler_params=pltpu.CompilerParams(
            fuse_transposed_lhs_in_matmul=True,
            vmem_limit_bytes=50 * 1024 * 1024,
        ),
    )(table_t)


def _gather_sc(table_lin, idx_mapped, half):
    mesh = plsc.VectorSubcoreMesh(core_axis_name="c", subcore_axis_name="s")
    half_base = half * HALF_TOK
    row_base = half * CH_ROWS

    @functools.partial(
        pl.kernel,
        mesh=mesh,
        out_type=jax.ShapeDtypeStruct((CH_ROWS, 128), jnp.float32),
        scratch_types=[
            pltpu.VMEM((H_PER_W,), jnp.int32),
            pltpu.VMEM((CHUNK, O_DIM), jnp.float32),
            pltpu.SemaphoreType.DMA,
        ],
        compiler_params=pltpu.CompilerParams(use_tc_tiling_on_sc=False),
    )
    def gather_kernel(table_hbm, idx_hbm, out_hbm, idx_v, rows_v, sem):
        wid = lax.axis_index("s") * 2 + lax.axis_index("c")
        base = half_base + wid * H_PER_W
        pltpu.sync_copy(idx_hbm.at[pl.ds(base, H_PER_W)], idx_v)

        def body(k, carry):
            u0 = base + k * CHUNK
            row0 = (u0 // B) * 1024 + (u0 % 1024) - row_base
            lane0 = ((u0 % B) // 1024) * O_DIM
            pltpu.async_copy(
                table_hbm.at[idx_v.at[pl.ds(k * CHUNK, CHUNK)]], rows_v, sem
            ).wait()
            pltpu.sync_copy(
                rows_v,
                out_hbm.at[pl.ds(row0, CHUNK), pl.ds(lane0, O_DIM)],
            )
            return carry

        lax.fori_loop(0, N_CHUNK, body, 0)

    return gather_kernel(table_lin, idx_mapped)


L_BLK = 10
LH = L // 2
HGRID = LH // L_BLK


def _proj_add_tc(prev_out, x2t, ch, word_W, half):
    off = half * HGRID

    def body(*refs):
        x2_ref, c_ref, w_ref, o_ref = refs[-4:]
        eye = jnp.eye(O_DIM, dtype=jnp.float32)
        for s in range(L_BLK):
            xb = x2_ref[s]
            w = jax.lax.dot_general(
                w_ref[...], xb, (((0,), (0,)), ((), ())),
                preferred_element_type=jnp.float32,
            )
            cb = c_ref[pl.ds(s * 1024, 1024), :]
            for j in range(4):
                ct_j = jax.lax.dot_general(
                    eye, cb[:, j * O_DIM:(j + 1) * O_DIM],
                    (((1,), (1,)), ((), ())),
                    preferred_element_type=jnp.float32,
                )
                o_ref[s, :, pl.ds(j * 1024, 1024)] = (
                    w[:, j * 1024:(j + 1) * 1024] + ct_j
                )

    specs = [
        pl.BlockSpec((L_BLK, WORD_DIM, B), lambda i, off=off: (i + off, 0, 0)),
        pl.BlockSpec((L_BLK * 1024, 128), lambda i: (i, 0)),
        pl.BlockSpec((WORD_DIM, O_DIM), lambda i: (0, 0)),
    ]
    args = (x2t, ch, word_W)
    aliases = {}
    if prev_out is not None:
        specs = [pl.BlockSpec(memory_space=pl.ANY)] + specs
        args = (prev_out,) + args
        aliases = {0: 0}
    return pl.pallas_call(
        body,
        grid=(HGRID,),
        in_specs=specs,
        out_specs=pl.BlockSpec((L_BLK, O_DIM, B), lambda i, off=off: (i + off, 0, 0)),
        out_shape=jax.ShapeDtypeStruct((L, O_DIM, B), jnp.float32),
        input_output_aliases=aliases,
        compiler_params=pltpu.CompilerParams(
            fuse_transposed_lhs_in_matmul=True,
            vmem_limit_bytes=50 * 1024 * 1024,
        ),
    )(*args)


def kernel(x1, x2, char_table, word_W):
    idx_lb = jnp.transpose(x1, (1, 0)).reshape(N_TOK)
    x2t = jnp.transpose(x2, (1, 2, 0))
    table_t = jnp.transpose(char_table, (1, 0))

    t128 = _table_relayout_tc(table_t)
    table_lin = t128.reshape(T_ROWS, O_DIM)

    xsh = X_BLK.bit_length() - 1
    qsh = QW.bit_length() - 1
    k = idx_lb >> xsh
    p = idx_lb & (X_BLK - 1)
    q = p >> qsh
    r = p & (QW - 1)
    idx_mapped = ((k << qsh) + r) * 4 + q

    cA = _gather_sc(table_lin, idx_mapped, 0)
    cB = _gather_sc(table_lin, idx_mapped, 1)
    outA = _proj_add_tc(None, x2t, cA, word_W, 0)
    out_t = _proj_add_tc(outA, x2t, cB, word_W, 1)
    return jnp.transpose(out_t, (2, 0, 1))

# --- scband reference (transcript-rebuilt; emitter-appended) ---
"""Pipeline reference for scband-mix-embedding-10230612099703 (READ-ONLY COPY).

The authoritative reference and input builder live on the scoring server;
editing this copy changes nothing except your own understanding.
"""

import jax, jax.numpy as jnp
import numpy as np

I_DIM = 1000000
O_DIM = 32
WORD_DIM = 64
B, L = 4096, 200

def setup_inputs(seed: int = 0) -> dict:
    key = jax.random.key(seed)
    k1, k2, k3, k4 = jax.random.split(key, 4)
    x1 = jax.random.randint(k1, (B, L), 0, I_DIM, dtype=jnp.int64 if jax.config.jax_enable_x64 else jnp.int32).astype(jnp.int32)
    x2 = jax.random.normal(k2, (B, L, WORD_DIM), dtype=jnp.float32)
    char_table = jax.random.normal(k3, (I_DIM, O_DIM), dtype=jnp.float32) * 0.02
    word_W = jax.random.normal(k4, (WORD_DIM, O_DIM), dtype=jnp.float32) * 0.02
    return {"x1": x1, "x2": x2, "char_table": char_table, "word_W": word_W}

def reference(x1, x2, char_table, word_W):
    # char id -> char embedding (gather)
    c = jnp.take(char_table, x1, axis=0)              # [B, L, O_DIM]
    # word embedding -> dense (no bias)
    w = jnp.einsum('bld,do->blo', x2, word_W)          # [B, L, O_DIM]
    return c + w

if __name__ == "__main__":
    import jax
    _d = setup_inputs()
    print(jax.jit(kernel)(*tuple(_d.values())))

</pallas_src>

<mosaic_0001>
#map = affine_map<(d0, d1) -> (0, 0)>
#map1 = affine_map<(d0, d1) -> (0)>
module attributes {stable_mosaic.version = 14 : i64} {
  func.func @gather_kernel(%arg0: i32, %arg1: i32, %arg2: memref<1015808x32xf32, #tpu.memory_space<hbm>>, %arg3: memref<819200xi32, #tpu.memory_space<hbm>>, %arg4: memref<102400x128xf32, #tpu.memory_space<hbm>>, %arg5: memref<12800xi32, #tpu.memory_space<vmem>>, %arg6: memref<512x32xf32, #tpu.memory_space<vmem>>, %arg7: memref<!tpu.dma_semaphore, #tpu.memory_space<semaphore_mem>>) attributes {dimension_semantics = [#tpu.dimension_semantics<core_parallel>, #tpu.dimension_semantics<subcore_parallel>], iteration_bounds = array<i64: 2, 16>, scalar_prefetch = 0 : i64, scratch_operands = 3 : i64, tpu.core_type = #tpu.core_type<sc_vector_subcore>, window_params = [{transform_indices = #map}, {transform_indices = #map1}, {transform_indices = #map}]} {
    %mul3A = arith.constant 2 : i32
    %mul3A_0 = arith.muli %arg1, %mul3A : i32
    %add3A = arith.addi %mul3A_0, %arg0 : i32
    %mul3A_1 = arith.constant 12800 : i32
    %mul3A_2 = arith.muli %add3A, %mul3A_1 : i32
    %add3A_3 = arith.constant 0 : i32
    %add3A_4 = arith.addi %add3A_3, %mul3A_2 : i32
    "tpu.region"() ({
      %run_scoped3A = tpu.sem_alloc : memref<!tpu.dma_semaphore, #tpu.memory_space<semaphore_mem>>
      %dma_start3A = tpu.memref_slice %arg3[%add3A_4] : memref<819200xi32, #tpu.memory_space<hbm>> -> memref<12800xi32, #tpu.memory_space<hbm>>
      %dma_start3A_10 = tpu.memref_slice %arg3[%add3A_4] : memref<819200xi32, #tpu.memory_space<hbm>> -> memref<12800xi32, #tpu.memory_space<hbm>>
      tpu.enqueue_dma source(%dma_start3A_10 : memref<12800xi32, #tpu.memory_space<hbm>>) target(%arg5 : memref<12800xi32, #tpu.memory_space<vmem>>) target_semaphore(%run_scoped3A : memref<!tpu.dma_semaphore, #tpu.memory_space<semaphore_mem>>)
      %dma_wait3A = tpu.memref_slice %arg3[%add3A_4] : memref<819200xi32, #tpu.memory_space<hbm>> -> memref<12800xi32, #tpu.memory_space<hbm>>
      %dma_wait3A_11 = tpu.memref_slice %arg3[%add3A_4] : memref<819200xi32, #tpu.memory_space<hbm>> -> memref<12800xi32, #tpu.memory_space<hbm>>
      tpu.wait_dma2 semaphore(%run_scoped3A : memref<!tpu.dma_semaphore, #tpu.memory_space<semaphore_mem>>) src(%dma_wait3A_11 : memref<12800xi32, #tpu.memory_space<hbm>>) dst(%arg5 : memref<12800xi32, #tpu.memory_space<vmem>>)
      tpu.yield
    }) : () -> ()
    %scan3A = arith.constant 0 : i32
    %scan3A_5 = arith.constant 0 : i32
    %scan3A_6 = arith.constant 25 : i32
    %scan3A_7 = arith.addi %scan3A_5, %scan3A_6 : i32
    %scan3A_8 = arith.constant 1 : i32
    scf.for %scan3A_10 = %scan3A_5 to %scan3A_7 step %scan3A_8  : i32 {
      %mul3A_11 = arith.constant 512 : i32
      %mul3A_12 = arith.muli %scan3A_10, %mul3A_11 : i32
      %add3A_13 = arith.addi %add3A_4, %mul3A_12 : i32
      %jit3A = arith.constant 4096 : i32
      %div3A = arith.divsi %add3A_13, %jit3A : i32
      %sign3A = arith.constant 0 : i32
      %sign3A_14 = arith.cmpi sgt, %add3A_13, %sign3A : i32
      %sign3A_15 = arith.extui %sign3A_14 : i1 to i32
      %sign3A_16 = arith.constant 0 : i32
      %sign3A_17 = arith.cmpi slt, %add3A_13, %sign3A_16 : i32
      %sign3A_18 = arith.extui %sign3A_17 : i1 to i32
      %sign3A_19 = arith.subi %sign3A_15, %sign3A_18 : i32
      %sign3A_20 = arith.constant 0 : i32
      %sign3A_21 = arith.cmpi sgt, %jit3A, %sign3A_20 : i32
      %sign3A_22 = arith.extui %sign3A_21 : i1 to i32
      %sign3A_23 = arith.constant 0 : i32
      %sign3A_24 = arith.cmpi slt, %jit3A, %sign3A_23 : i32
      %sign3A_25 = arith.extui %sign3A_24 : i1 to i32
      %sign3A_26 = arith.subi %sign3A_22, %sign3A_25 : i32
      %ne3A = arith.cmpi ne, %sign3A_19, %sign3A_26 : i32
      %rem3A = arith.remsi %add3A_13, %jit3A : i32
      %ne3A_27 = arith.constant 0 : i32
      %ne3A_28 = arith.cmpi ne, %rem3A, %ne3A_27 : i32
      %and3A = arith.andi %ne3A, %ne3A_28 : i1
      %sub3A = arith.constant 1 : i32
      %sub3A_29 = arith.subi %div3A, %sub3A : i32
      %select_n3A = arith.select %and3A, %sub3A_29, %div3A : i32
      %mul3A_30 = arith.constant 1024 : i32
      %mul3A_31 = arith.muli %select_n3A, %mul3A_30 : i32
      %jit3A_32 = arith.constant 1024 : i32
      %eq3A = arith.constant 0 : i32
      %eq3A_33 = arith.cmpi eq, %jit3A_32, %eq3A : i32
      %jit3A_34 = arith.constant 1 : i32
      %select_n3A_35 = arith.select %eq3A_33, %jit3A_34, %jit3A_32 : i32
      %rem3A_36 = arith.remsi %add3A_13, %select_n3A_35 : i32
      %ne3A_37 = arith.constant 0 : i32
      %ne3A_38 = arith.cmpi ne, %rem3A_36, %ne3A_37 : i32
      %lt3A = arith.constant 0 : i32
      %lt3A_39 = arith.cmpi slt, %rem3A_36, %lt3A : i32
      %lt3A_40 = arith.constant 0 : i32
      %lt3A_41 = arith.cmpi slt, %select_n3A_35, %lt3A_40 : i32
      %ne3A_42 = arith.xori %lt3A_39, %lt3A_41 : i1
      %and3A_43 = arith.andi %ne3A_42, %ne3A_38 : i1
      %add3A_44 = arith.addi %rem3A_36, %select_n3A_35 : i32
      %select_n3A_45 = arith.select %and3A_43, %add3A_44, %rem3A_36 : i32
      %add3A_46 = arith.addi %mul3A_31, %select_n3A_45 : i32
      %sub3A_47 = arith.constant 0 : i32
      %sub3A_48 = arith.subi %add3A_46, %sub3A_47 : i32
      %jit3A_49 = arith.constant 4096 : i32
      %eq3A_50 = arith.constant 0 : i32
      %eq3A_51 = arith.cmpi eq, %jit3A_49, %eq3A_50 : i32
      %jit3A_52 = arith.constant 1 : i32
      %select_n3A_53 = arith.select %eq3A_51, %jit3A_52, %jit3A_49 : i32
      %rem3A_54 = arith.remsi %add3A_13, %select_n3A_53 : i32
      %ne3A_55 = arith.constant 0 : i32
      %ne3A_56 = arith.cmpi ne, %rem3A_54, %ne3A_55 : i32
      %lt3A_57 = arith.constant 0 : i32
      %lt3A_58 = arith.cmpi slt, %rem3A_54, %lt3A_57 : i32
      %lt3A_59 = arith.constant 0 : i32
      %lt3A_60 = arith.cmpi slt, %select_n3A_53, %lt3A_59 : i32
      %ne3A_61 = arith.xori %lt3A_58, %lt3A_60 : i1
      %and3A_62 = arith.andi %ne3A_61, %ne3A_56 : i1
      %add3A_63 = arith.addi %rem3A_54, %select_n3A_53 : i32
      %select_n3A_64 = arith.select %and3A_62, %add3A_63, %rem3A_54 : i32
      %jit3A_65 = arith.constant 1024 : i32
      %div3A_66 = arith.divsi %select_n3A_64, %jit3A_65 : i32
      %sign3A_67 = arith.constant 0 : i32
      %sign3A_68 = arith.cmpi sgt, %select_n3A_64, %sign3A_67 : i32
      %sign3A_69 = arith.extui %sign3A_68 : i1 to i32
      %sign3A_70 = arith.constant 0 : i32
      %sign3A_71 = arith.cmpi slt, %select_n3A_64, %sign3A_70 : i32
      %sign3A_72 = arith.extui %sign3A_71 : i1 to i32
      %sign3A_73 = arith.subi %sign3A_69, %sign3A_72 : i32
      %sign3A_74 = arith.constant 0 : i32
      %sign3A_75 = arith.cmpi sgt, %jit3A_65, %sign3A_74 : i32
      %sign3A_76 = arith.extui %sign3A_75 : i1 to i32
      %sign3A_77 = arith.constant 0 : i32
      %sign3A_78 = arith.cmpi slt, %jit3A_65, %sign3A_77 : i32
      %sign3A_79 = arith.extui %sign3A_78 : i1 to i32
      %sign3A_80 = arith.subi %sign3A_76, %sign3A_79 : i32
      %ne3A_81 = arith.cmpi ne, %sign3A_73, %sign3A_80 : i32
      %rem3A_82 = arith.remsi %select_n3A_64, %jit3A_65 : i32
      %ne3A_83 = arith.constant 0 : i32
      %ne3A_84 = arith.cmpi ne, %rem3A_82, %ne3A_83 : i32
      %and3A_85 = arith.andi %ne3A_81, %ne3A_84 : i1
      %sub3A_86 = arith.constant 1 : i32
      %sub3A_87 = arith.subi %div3A_66, %sub3A_86 : i32
      %select_n3A_88 = arith.select %and3A_85, %sub3A_87, %div3A_66 : i32
      %mul3A_89 = arith.constant 32 : i32
      %mul3A_90 = arith.muli %select_n3A_88, %mul3A_89 : i32
      %mul3A_91 = arith.constant 512 : i32
      %mul3A_92 = arith.muli %scan3A_10, %mul3A_91 : i32
      %dma_start3A = tpu.memref_slice %arg5[%mul3A_92] : memref<12800xi32, #tpu.memory_space<vmem>> -> memref<512xi32, #tpu.memory_space<vmem>>
      %dma_start3A_93 = arith.constant 0 : i32
      %dma_start3A_94 = arith.constant 0 : i32
      %dma_start3A_95 = tpu.memref_slice %arg2[%dma_start3A_93, %dma_start3A_94] : memref<1015808x32xf32, #tpu.memory_space<hbm>> -> memref<1015808x32xf32, #tpu.memory_space<hbm>>
      tpu.enqueue_indirect_dma source(%dma_start3A_95 : memref<1015808x32xf32, #tpu.memory_space<hbm>>) target(%arg6 : memref<512x32xf32, #tpu.memory_space<vmem>>) offsets(%dma_start3A : memref<512xi32, #tpu.memory_space<vmem>>) semaphore(%arg7 : memref<!tpu.dma_semaphore, #tpu.memory_space<semaphore_mem>>)
      %dma_wait3A = tpu.memref_slice %arg5[%mul3A_92] : memref<12800xi32, #tpu.memory_space<vmem>> -> memref<512xi32, #tpu.memory_space<vmem>>
      %dma_wait3A_96 = arith.constant 0 : i32
      %dma_wait3A_97 = arith.constant 0 : i32
      %dma_wait3A_98 = tpu.memref_slice %arg2[%dma_wait3A_96, %dma_wait3A_97] : memref<1015808x32xf32, #tpu.memory_space<hbm>> -> memref<1015808x32xf32, #tpu.memory_space<hbm>>
      tpu.wait_indirect_dma semaphore(%arg7 : memref<!tpu.dma_semaphore, #tpu.memory_space<semaphore_mem>>) src(%dma_wait3A_98 : memref<1015808x32xf32, #tpu.memory_space<hbm>>) dst(%arg6 : memref<512x32xf32, #tpu.memory_space<vmem>>)
      "tpu.region"() ({
        %run_scoped3A = tpu.sem_alloc : memref<!tpu.dma_semaphore, #tpu.memory_space<semaphore_mem>>
        %dma_start3A_99 = tpu.memref_slice %arg4[%sub3A_48, %mul3A_90] : memref<102400x128xf32, #tpu.memory_space<hbm>> -> memref<512x32xf32, #tpu.memory_space<hbm>>
        %dma_start3A_100 = tpu.memref_slice %arg4[%sub3A_48, %mul3A_90] : memref<102400x128xf32, #tpu.memory_space<hbm>> -> memref<512x32xf32, #tpu.memory_space<hbm>>
        tpu.enqueue_dma source(%arg6 : memref<512x32xf32, #tpu.memory_space<vmem>>) target(%dma_start3A_100 : memref<512x32xf32, #tpu.memory_space<hbm>>) target_semaphore(%run_scoped3A : memref<!tpu.dma_semaphore, #tpu.memory_space<semaphore_mem>>)
        %dma_wait3A_101 = tpu.memref_slice %arg4[%sub3A_48, %mul3A_90] : memref<102400x128xf32, #tpu.memory_space<hbm>> -> memref<512x32xf32, #tpu.memory_space<hbm>>
        %dma_wait3A_102 = tpu.memref_slice %arg4[%sub3A_48, %mul3A_90] : memref<102400x128xf32, #tpu.memory_space<hbm>> -> memref<512x32xf32, #tpu.memory_space<hbm>>
        tpu.wait_dma2 semaphore(%run_scoped3A : memref<!tpu.dma_semaphore, #tpu.memory_space<semaphore_mem>>) src(%arg6 : memref<512x32xf32, #tpu.memory_space<vmem>>) dst(%dma_wait3A_102 : memref<512x32xf32, #tpu.memory_space<hbm>>)
        tpu.yield
      }) : () -> ()
    }
    %scan3A_9 = arith.constant 25 : i32
    return
  }
}

#map = affine_map<(d0, d1) -> (0, 0)>
#map1 = affine_map<(d0, d1) -> (0)>
module attributes {stable_mosaic.version = 14 : i64} {
  func.func @gather_kernel(%arg0: i32, %arg1: i32, %arg2: memref<1015808x32xf32, #tpu.memory_space<hbm>>, %arg3: memref<819200xi32, #tpu.memory_space<hbm>>, %arg4: memref<102400x128xf32, #tpu.memory_space<hbm>>, %arg5: memref<12800xi32, #tpu.memory_space<vmem>>, %arg6: memref<512x32xf32, #tpu.memory_space<vmem>>, %arg7: memref<!tpu.dma_semaphore, #tpu.memory_space<semaphore_mem>>) attributes {dimension_semantics = [#tpu.dimension_semantics<core_parallel>, #tpu.dimension_semantics<subcore_parallel>], iteration_bounds = array<i64: 2, 16>, scalar_prefetch = 0 : i64, scratch_operands = 3 : i64, tpu.core_type = #tpu.core_type<sc_vector_subcore>, window_params = [{transform_indices = #map}, {transform_indices = #map1}, {transform_indices = #map}]} {
    %mul3A = arith.constant 2 : i32
    %mul3A_0 = arith.muli %arg1, %mul3A : i32
    %add3A = arith.addi %mul3A_0, %arg0 : i32
    %mul3A_1 = arith.constant 12800 : i32
    %mul3A_2 = arith.muli %add3A, %mul3A_1 : i32
    %add3A_3 = arith.constant 409600 : i32
    %add3A_4 = arith.addi %add3A_3, %mul3A_2 : i32
    "tpu.region"() ({
      %run_scoped3A = tpu.sem_alloc : memref<!tpu.dma_semaphore, #tpu.memory_space<semaphore_mem>>
      %dma_start3A = tpu.memref_slice %arg3[%add3A_4] : memref<819200xi32, #tpu.memory_space<hbm>> -> memref<12800xi32, #tpu.memory_space<hbm>>
      %dma_start3A_10 = tpu.memref_slice %arg3[%add3A_4] : memref<819200xi32, #tpu.memory_space<hbm>> -> memref<12800xi32, #tpu.memory_space<hbm>>
      tpu.enqueue_dma source(%dma_start3A_10 : memref<12800xi32, #tpu.memory_space<hbm>>) target(%arg5 : memref<12800xi32, #tpu.memory_space<vmem>>) target_semaphore(%run_scoped3A : memref<!tpu.dma_semaphore, #tpu.memory_space<semaphore_mem>>)
      %dma_wait3A = tpu.memref_slice %arg3[%add3A_4] : memref<819200xi32, #tpu.memory_space<hbm>> -> memref<12800xi32, #tpu.memory_space<hbm>>
      %dma_wait3A_11 = tpu.memref_slice %arg3[%add3A_4] : memref<819200xi32, #tpu.memory_space<hbm>> -> memref<12800xi32, #tpu.memory_space<hbm>>
      tpu.wait_dma2 semaphore(%run_scoped3A : memref<!tpu.dma_semaphore, #tpu.memory_space<semaphore_mem>>) src(%dma_wait3A_11 : memref<12800xi32, #tpu.memory_space<hbm>>) dst(%arg5 : memref<12800xi32, #tpu.memory_space<vmem>>)
      tpu.yield
    }) : () -> ()
    %scan3A = arith.constant 0 : i32
    %scan3A_5 = arith.constant 0 : i32
    %scan3A_6 = arith.constant 25 : i32
    %scan3A_7 = arith.addi %scan3A_5, %scan3A_6 : i32
    %scan3A_8 = arith.constant 1 : i32
    scf.for %scan3A_10 = %scan3A_5 to %scan3A_7 step %scan3A_8  : i32 {
      %mul3A_11 = arith.constant 512 : i32
      %mul3A_12 = arith.muli %scan3A_10, %mul3A_11 : i32
      %add3A_13 = arith.addi %add3A_4, %mul3A_12 : i32
      %jit3A = arith.constant 4096 : i32
      %div3A = arith.divsi %add3A_13, %jit3A : i32
      %sign3A = arith.constant 0 : i32
      %sign3A_14 = arith.cmpi sgt, %add3A_13, %sign3A : i32
      %sign3A_15 = arith.extui %sign3A_14 : i1 to i32
      %sign3A_16 = arith.constant 0 : i32
      %sign3A_17 = arith.cmpi slt, %add3A_13, %sign3A_16 : i32
      %sign3A_18 = arith.extui %sign3A_17 : i1 to i32
      %sign3A_19 = arith.subi %sign3A_15, %sign3A_18 : i32
      %sign3A_20 = arith.constant 0 : i32
      %sign3A_21 = arith.cmpi sgt, %jit3A, %sign3A_20 : i32
      %sign3A_22 = arith.extui %sign3A_21 : i1 to i32
      %sign3A_23 = arith.constant 0 : i32
      %sign3A_24 = arith.cmpi slt, %jit3A, %sign3A_23 : i32
      %sign3A_25 = arith.extui %sign3A_24 : i1 to i32
      %sign3A_26 = arith.subi %sign3A_22, %sign3A_25 : i32
      %ne3A = arith.cmpi ne, %sign3A_19, %sign3A_26 : i32
      %rem3A = arith.remsi %add3A_13, %jit3A : i32
      %ne3A_27 = arith.constant 0 : i32
      %ne3A_28 = arith.cmpi ne, %rem3A, %ne3A_27 : i32
      %and3A = arith.andi %ne3A, %ne3A_28 : i1
      %sub3A = arith.constant 1 : i32
      %sub3A_29 = arith.subi %div3A, %sub3A : i32
      %select_n3A = arith.select %and3A, %sub3A_29, %div3A : i32
      %mul3A_30 = arith.constant 1024 : i32
      %mul3A_31 = arith.muli %select_n3A, %mul3A_30 : i32
      %jit3A_32 = arith.constant 1024 : i32
      %eq3A = arith.constant 0 : i32
      %eq3A_33 = arith.cmpi eq, %jit3A_32, %eq3A : i32
      %jit3A_34 = arith.constant 1 : i32
      %select_n3A_35 = arith.select %eq3A_33, %jit3A_34, %jit3A_32 : i32
      %rem3A_36 = arith.remsi %add3A_13, %select_n3A_35 : i32
      %ne3A_37 = arith.constant 0 : i32
      %ne3A_38 = arith.cmpi ne, %rem3A_36, %ne3A_37 : i32
      %lt3A = arith.constant 0 : i32
      %lt3A_39 = arith.cmpi slt, %rem3A_36, %lt3A : i32
      %lt3A_40 = arith.constant 0 : i32
      %lt3A_41 = arith.cmpi slt, %select_n3A_35, %lt3A_40 : i32
      %ne3A_42 = arith.xori %lt3A_39, %lt3A_41 : i1
      %and3A_43 = arith.andi %ne3A_42, %ne3A_38 : i1
      %add3A_44 = arith.addi %rem3A_36, %select_n3A_35 : i32
      %select_n3A_45 = arith.select %and3A_43, %add3A_44, %rem3A_36 : i32
      %add3A_46 = arith.addi %mul3A_31, %select_n3A_45 : i32
      %sub3A_47 = arith.constant 102400 : i32
      %sub3A_48 = arith.subi %add3A_46, %sub3A_47 : i32
      %jit3A_49 = arith.constant 4096 : i32
      %eq3A_50 = arith.constant 0 : i32
      %eq3A_51 = arith.cmpi eq, %jit3A_49, %eq3A_50 : i32
      %jit3A_52 = arith.constant 1 : i32
      %select_n3A_53 = arith.select %eq3A_51, %jit3A_52, %jit3A_49 : i32
      %rem3A_54 = arith.remsi %add3A_13, %select_n3A_53 : i32
      %ne3A_55 = arith.constant 0 : i32
      %ne3A_56 = arith.cmpi ne, %rem3A_54, %ne3A_55 : i32
      %lt3A_57 = arith.constant 0 : i32
      %lt3A_58 = arith.cmpi slt, %rem3A_54, %lt3A_57 : i32
      %lt3A_59 = arith.constant 0 : i32
      %lt3A_60 = arith.cmpi slt, %select_n3A_53, %lt3A_59 : i32
      %ne3A_61 = arith.xori %lt3A_58, %lt3A_60 : i1
      %and3A_62 = arith.andi %ne3A_61, %ne3A_56 : i1
      %add3A_63 = arith.addi %rem3A_54, %select_n3A_53 : i32
      %select_n3A_64 = arith.select %and3A_62, %add3A_63, %rem3A_54 : i32
      %jit3A_65 = arith.constant 1024 : i32
      %div3A_66 = arith.divsi %select_n3A_64, %jit3A_65 : i32
      %sign3A_67 = arith.constant 0 : i32
      %sign3A_68 = arith.cmpi sgt, %select_n3A_64, %sign3A_67 : i32
      %sign3A_69 = arith.extui %sign3A_68 : i1 to i32
      %sign3A_70 = arith.constant 0 : i32
      %sign3A_71 = arith.cmpi slt, %select_n3A_64, %sign3A_70 : i32
      %sign3A_72 = arith.extui %sign3A_71 : i1 to i32
      %sign3A_73 = arith.subi %sign3A_69, %sign3A_72 : i32
      %sign3A_74 = arith.constant 0 : i32
      %sign3A_75 = arith.cmpi sgt, %jit3A_65, %sign3A_74 : i32
      %sign3A_76 = arith.extui %sign3A_75 : i1 to i32
      %sign3A_77 = arith.constant 0 : i32
      %sign3A_78 = arith.cmpi slt, %jit3A_65, %sign3A_77 : i32
      %sign3A_79 = arith.extui %sign3A_78 : i1 to i32
      %sign3A_80 = arith.subi %sign3A_76, %sign3A_79 : i32
      %ne3A_81 = arith.cmpi ne, %sign3A_73, %sign3A_80 : i32
      %rem3A_82 = arith.remsi %select_n3A_64, %jit3A_65 : i32
      %ne3A_83 = arith.constant 0 : i32
      %ne3A_84 = arith.cmpi ne, %rem3A_82, %ne3A_83 : i32
      %and3A_85 = arith.andi %ne3A_81, %ne3A_84 : i1
      %sub3A_86 = arith.constant 1 : i32
      %sub3A_87 = arith.subi %div3A_66, %sub3A_86 : i32
      %select_n3A_88 = arith.select %and3A_85, %sub3A_87, %div3A_66 : i32
      %mul3A_89 = arith.constant 32 : i32
      %mul3A_90 = arith.muli %select_n3A_88, %mul3A_89 : i32
      %mul3A_91 = arith.constant 512 : i32
      %mul3A_92 = arith.muli %scan3A_10, %mul3A_91 : i32
      %dma_start3A = tpu.memref_slice %arg5[%mul3A_92] : memref<12800xi32, #tpu.memory_space<vmem>> -> memref<512xi32, #tpu.memory_space<vmem>>
      %dma_start3A_93 = arith.constant 0 : i32
      %dma_start3A_94 = arith.constant 0 : i32
      %dma_start3A_95 = tpu.memref_slice %arg2[%dma_start3A_93, %dma_start3A_94] : memref<1015808x32xf32, #tpu.memory_space<hbm>> -> memref<1015808x32xf32, #tpu.memory_space<hbm>>
      tpu.enqueue_indirect_dma source(%dma_start3A_95 : memref<1015808x32xf32, #tpu.memory_space<hbm>>) target(%arg6 : memref<512x32xf32, #tpu.memory_space<vmem>>) offsets(%dma_start3A : memref<512xi32, #tpu.memory_space<vmem>>) semaphore(%arg7 : memref<!tpu.dma_semaphore, #tpu.memory_space<semaphore_mem>>)
      %dma_wait3A = tpu.memref_slice %arg5[%mul3A_92] : memref<12800xi32, #tpu.memory_space<vmem>> -> memref<512xi32, #tpu.memory_space<vmem>>
      %dma_wait3A_96 = arith.constant 0 : i32
      %dma_wait3A_97 = arith.constant 0 : i32
      %dma_wait3A_98 = tpu.memref_slice %arg2[%dma_wait3A_96, %dma_wait3A_97] : memref<1015808x32xf32, #tpu.memory_space<hbm>> -> memref<1015808x32xf32, #tpu.memory_space<hbm>>
      tpu.wait_indirect_dma semaphore(%arg7 : memref<!tpu.dma_semaphore, #tpu.memory_space<semaphore_mem>>) src(%dma_wait3A_98 : memref<1015808x32xf32, #tpu.memory_space<hbm>>) dst(%arg6 : memref<512x32xf32, #tpu.memory_space<vmem>>)
      "tpu.region"() ({
        %run_scoped3A = tpu.sem_alloc : memref<!tpu.dma_semaphore, #tpu.memory_space<semaphore_mem>>
        %dma_start3A_99 = tpu.memref_slice %arg4[%sub3A_48, %mul3A_90] : memref<102400x128xf32, #tpu.memory_space<hbm>> -> memref<512x32xf32, #tpu.memory_space<hbm>>
        %dma_start3A_100 = tpu.memref_slice %arg4[%sub3A_48, %mul3A_90] : memref<102400x128xf32, #tpu.memory_space<hbm>> -> memref<512x32xf32, #tpu.memory_space<hbm>>
        tpu.enqueue_dma source(%arg6 : memref<512x32xf32, #tpu.memory_space<vmem>>) target(%dma_start3A_100 : memref<512x32xf32, #tpu.memory_space<hbm>>) target_semaphore(%run_scoped3A : memref<!tpu.dma_semaphore, #tpu.memory_space<semaphore_mem>>)
        %dma_wait3A_101 = tpu.memref_slice %arg4[%sub3A_48, %mul3A_90] : memref<102400x128xf32, #tpu.memory_space<hbm>> -> memref<512x32xf32, #tpu.memory_space<hbm>>
        %dma_wait3A_102 = tpu.memref_slice %arg4[%sub3A_48, %mul3A_90] : memref<102400x128xf32, #tpu.memory_space<hbm>> -> memref<512x32xf32, #tpu.memory_space<hbm>>
        tpu.wait_dma2 semaphore(%run_scoped3A : memref<!tpu.dma_semaphore, #tpu.memory_space<semaphore_mem>>) src(%arg6 : memref<512x32xf32, #tpu.memory_space<vmem>>) dst(%dma_wait3A_102 : memref<512x32xf32, #tpu.memory_space<hbm>>)
        tpu.yield
      }) : () -> ()
    }
    %scan3A_9 = arith.constant 25 : i32
    return
  }
}

module attributes {stable_mosaic.version = 14 : i64} {
  func.func @body(%arg0: i32, %arg1: memref<32x32768xf32, #tpu.memory_space<vmem>>, %arg2: memref<8192x128xf32, #tpu.memory_space<vmem>>) attributes {dimension_semantics = [#tpu.dimension_semantics<arbitrary>], iteration_bounds = array<i64: 31>, scalar_prefetch = 0 : i64, scratch_operands = 0 : i64, tpu.core_type = #tpu.core_type<tc>, window_params = [{transform_indices = @transform_0, window_bounds = array<i64: 32, 32768>}, {transform_indices = @transform_1, window_bounds = array<i64: 8192, 128>}]} {
    %iota3A = tpu.iota {dimensions = array<i32: 0>} : vector<128x128xi32>
    %iota3A_0 = tpu.iota {dimensions = array<i32: 1>} : vector<128x128xi32>
    %add3A = arith.constant 0 : i32
    %add3A_1 = vector.broadcast %add3A : i32 to vector<128x128xi32>
    %add3A_2 = arith.addi %iota3A, %add3A_1 : vector<128x128xi32>
    %eq3A = arith.cmpi eq, %add3A_2, %iota3A_0 : vector<128x128xi32>
    %convert_element_type3A = arith.extui %eq3A : vector<128x128xi1> to vector<128x128xi32>
    %convert_element_type3A_3 = arith.sitofp %convert_element_type3A : vector<128x128xi32> to vector<128x128xf32>
    %get3A = arith.constant 0 : index
    %get3A_4 = arith.constant 0 : index
    %get3A_5 = vector.load %arg1[%get3A, %get3A_4] : memref<32x32768xf32, #tpu.memory_space<vmem>>, vector<32x32768xf32>
    %slice3A = vector.extract_strided_slice %get3A_5 {offsets = [0, 0], sizes = [32, 8192], strides = [1, 1]} : vector<32x32768xf32> to vector<32x8192xf32>
    %slice3A_6 = vector.extract_strided_slice %convert_element_type3A_3 {offsets = [0, 0], sizes = [32, 128], strides = [1, 1]} : vector<128x128xf32> to vector<32x128xf32>
    %dot_general3A = arith.constant dense<0.000000e+00> : vector<8192x128xf32>
    %dot_general3A_7 = tpu.matmul %slice3A, %slice3A_6, %dot_general3A {dimension_numbers = #tpu.dot_dimension_numbers<[0], [0], [1], [1], [0, 1, 1, 1], [], []>, transpose_lhs_hint = true} : vector<32x8192xf32>, vector<32x128xf32>, vector<8192x128xf32> -> vector<8192x128xf32>
    %slice3A_8 = vector.extract_strided_slice %get3A_5 {offsets = [0, 8192], sizes = [32, 8192], strides = [1, 1]} : vector<32x32768xf32> to vector<32x8192xf32>
    %slice3A_9 = vector.extract_strided_slice %convert_element_type3A_3 {offsets = [32, 0], sizes = [32, 128], strides = [1, 1]} : vector<128x128xf32> to vector<32x128xf32>
    %dot_general3A_10 = arith.constant dense<0.000000e+00> : vector<8192x128xf32>
    %dot_general3A_11 = tpu.matmul %slice3A_8, %slice3A_9, %dot_general3A_10 {dimension_numbers = #tpu.dot_dimension_numbers<[0], [0], [1], [1], [0, 1, 1, 1], [], []>, transpose_lhs_hint = true} : vector<32x8192xf32>, vector<32x128xf32>, vector<8192x128xf32> -> vector<8192x128xf32>
    %add3A_12 = arith.addf %dot_general3A_7, %dot_general3A_11 : vector<8192x128xf32>
    %slice3A_13 = vector.extract_strided_slice %get3A_5 {offsets = [0, 16384], sizes = [32, 8192], strides = [1, 1]} : vector<32x32768xf32> to vector<32x8192xf32>
    %slice3A_14 = vector.extract_strided_slice %convert_element_type3A_3 {offsets = [64, 0], sizes = [32, 128], strides = [1, 1]} : vector<128x128xf32> to vector<32x128xf32>
    %dot_general3A_15 = arith.constant dense<0.000000e+00> : vector<8192x128xf32>
    %dot_general3A_16 = tpu.matmul %slice3A_13, %slice3A_14, %dot_general3A_15 {dimension_numbers = #tpu.dot_dimension_numbers<[0], [0], [1], [1], [0, 1, 1, 1], [], []>, transpose_lhs_hint = true} : vector<32x8192xf32>, vector<32x128xf32>, vector<8192x128xf32> -> vector<8192x128xf32>
    %add3A_17 = arith.addf %add3A_12, %dot_general3A_16 : vector<8192x128xf32>
    %slice3A_18 = vector.extract_strided_slice %get3A_5 {offsets = [0, 24576], sizes = [32, 8192], strides = [1, 1]} : vector<32x32768xf32> to vector<32x8192xf32>
    %slice3A_19 = vector.extract_strided_slice %convert_element_type3A_3 {offsets = [96, 0], sizes = [32, 128], strides = [1, 1]} : vector<128x128xf32> to vector<32x128xf32>
    %dot_general3A_20 = arith.constant dense<0.000000e+00> : vector<8192x128xf32>
    %dot_general3A_21 = tpu.matmul %slice3A_18, %slice3A_19, %dot_general3A_20 {dimension_numbers = #tpu.dot_dimension_numbers<[0], [0], [1], [1], [0, 1, 1, 1], [], []>, transpose_lhs_hint = true} : vector<32x8192xf32>, vector<32x128xf32>, vector<8192x128xf32> -> vector<8192x128xf32>
    %add3A_22 = arith.addf %add3A_17, %dot_general3A_21 : vector<8192x128xf32>
    %swap3A = arith.constant 0 : index
    %swap3A_23 = arith.constant 0 : index
    %swap3A_24 = vector.load %arg2[%swap3A, %swap3A_23] : memref<8192x128xf32, #tpu.memory_space<vmem>>, vector<8192x128xf32>
    tpu.vector_store %arg2[%swap3A, %swap3A_23], %add3A_22 {strides = array<i32>} : memref<8192x128xf32, #tpu.memory_space<vmem>>, vector<8192x128xf32>,
    return
  }
  func.func @transform_0(%arg0: i32) -> (i32, i32) {
    %c0_i32 = arith.constant 0 : i32
    %c0_i32_0 = arith.constant 0 : i32
    return %c0_i32, %arg0 : i32, i32
  }
  func.func @transform_1(%arg0: i32) -> (i32, i32) {
    %c0_i32 = arith.constant 0 : i32
    %c0_i32_0 = arith.constant 0 : i32
    return %arg0, %c0_i32 : i32, i32
  }
}

module attributes {stable_mosaic.version = 14 : i64} {
  func.func @body(%arg0: i32, %arg1: memref<10x64x4096xf32, #tpu.memory_space<vmem>>, %arg2: memref<10240x128xf32, #tpu.memory_space<vmem>>, %arg3: memref<64x32xf32, #tpu.memory_space<vmem>>, %arg4: memref<10x32x4096xf32, #tpu.memory_space<vmem>>) attributes {dimension_semantics = [#tpu.dimension_semantics<arbitrary>], iteration_bounds = array<i64: 10>, scalar_prefetch = 0 : i64, scratch_operands = 0 : i64, tpu.core_type = #tpu.core_type<tc>, window_params = [{transform_indices = @transform_0, window_bounds = array<i64: 10, 64, 4096>}, {transform_indices = @transform_1, window_bounds = array<i64: 10240, 128>}, {pipeline_mode = #tpu.pipeline_mode<synchronous>, transform_indices = @transform_2, window_bounds = array<i64: 64, 32>}, {transform_indices = @transform_3, window_bounds = array<i64: 10, 32, 4096>}]} {
    %iota3A = tpu.iota {dimensions = array<i32: 0>} : vector<32x32xi32>
    %iota3A_0 = tpu.iota {dimensions = array<i32: 1>} : vector<32x32xi32>
    %add3A = arith.constant 0 : i32
    %add3A_1 = vector.broadcast %add3A : i32 to vector<32x32xi32>
    %add3A_2 = arith.addi %iota3A, %add3A_1 : vector<32x32xi32>
    %eq3A = arith.cmpi eq, %add3A_2, %iota3A_0 : vector<32x32xi32>
    %convert_element_type3A = arith.extui %eq3A : vector<32x32xi1> to vector<32x32xi32>
    %convert_element_type3A_3 = arith.sitofp %convert_element_type3A : vector<32x32xi32> to vector<32x32xf32>
    %get3A = arith.constant 0 : index
    %get3A_4 = arith.constant 0 : index
    %get3A_5 = arith.constant 0 : index
    %get3A_6 = vector.load %arg1[%get3A, %get3A_4, %get3A_5] : memref<10x64x4096xf32, #tpu.memory_space<vmem>>, vector<1x64x4096xf32>
    %get3A_7 = vector.shape_cast %get3A_6 : vector<1x64x4096xf32> to vector<64x4096xf32>
    %get3A_8 = arith.constant 0 : index
    %get3A_9 = arith.constant 0 : index
    %get3A_10 = vector.load %arg3[%get3A_8, %get3A_9] : memref<64x32xf32, #tpu.memory_space<vmem>>, vector<64x32xf32>
    %dot_general3A = arith.constant dense<0.000000e+00> : vector<32x4096xf32>
    %dot_general3A_11 = tpu.matmul %get3A_10, %get3A_7, %dot_general3A {dimension_numbers = #tpu.dot_dimension_numbers<[0], [0], [1], [1], [0, 1, 1, 1], [], []>, transpose_lhs_hint = true} : vector<64x32xf32>, vector<64x4096xf32>, vector<32x4096xf32> -> vector<32x4096xf32>
    %get3A_12 = arith.constant 0 : index
    %get3A_13 = arith.constant 0 : index
    %get3A_14 = vector.load %arg2[%get3A_12, %get3A_13] : memref<10240x128xf32, #tpu.memory_space<vmem>>, vector<1024x128xf32>
    %slice3A = vector.extract_strided_slice %get3A_14 {offsets = [0, 0], sizes = [1024, 32], strides = [1, 1]} : vector<1024x128xf32> to vector<1024x32xf32>
    %dot_general3A_15 = arith.constant dense<0.000000e+00> : vector<32x1024xf32>
    %dot_general3A_16 = tpu.matmul %convert_element_type3A_3, %slice3A, %dot_general3A_15 {dimension_numbers = #tpu.dot_dimension_numbers<[1], [1], [0], [0], [0, 0, 1, 0], [], []>, transpose_lhs_hint = false} : vector<32x32xf32>, vector<1024x32xf32>, vector<32x1024xf32> -> vector<32x1024xf32>
    %slice3A_17 = vector.extract_strided_slice %dot_general3A_11 {offsets = [0, 0], sizes = [32, 1024], strides = [1, 1]} : vector<32x4096xf32> to vector<32x1024xf32>
    %add3A_18 = arith.addf %slice3A_17, %dot_general3A_16 : vector<32x1024xf32>
    %swap3A = arith.constant 0 : index
    %swap3A_19 = arith.constant 0 : index
    %swap3A_20 = arith.constant 0 : index
    %swap3A_21 = vector.load %arg4[%swap3A, %swap3A_19, %swap3A_20] : memref<10x32x4096xf32, #tpu.memory_space<vmem>>, vector<1x32x1024xf32>
    %swap3A_22 = vector.shape_cast %swap3A_21 : vector<1x32x1024xf32> to vector<32x1024xf32>
    %swap3A_23 = vector.shape_cast %add3A_18 : vector<32x1024xf32> to vector<1x32x1024xf32>
    tpu.vector_store %arg4[%swap3A, %swap3A_19, %swap3A_20], %swap3A_23 {strides = array<i32>} : memref<10x32x4096xf32, #tpu.memory_space<vmem>>, vector<1x32x1024xf32>,
    %slice3A_24 = vector.extract_strided_slice %get3A_14 {offsets = [0, 32], sizes = [1024, 32], strides = [1, 1]} : vector<1024x128xf32> to vector<1024x32xf32>
    %dot_general3A_25 = arith.constant dense<0.000000e+00> : vector<32x1024xf32>
    %dot_general3A_26 = tpu.matmul %convert_element_type3A_3, %slice3A_24, %dot_general3A_25 {dimension_numbers = #tpu.dot_dimension_numbers<[1], [1], [0], [0], [0, 0, 1, 0], [], []>, transpose_lhs_hint = false} : vector<32x32xf32>, vector<1024x32xf32>, vector<32x1024xf32> -> vector<32x1024xf32>
    %slice3A_27 = vector.extract_strided_slice %dot_general3A_11 {offsets = [0, 1024], sizes = [32, 1024], strides = [1, 1]} : vector<32x4096xf32> to vector<32x1024xf32>
    %add3A_28 = arith.addf %slice3A_27, %dot_general3A_26 : vector<32x1024xf32>
    %swap3A_29 = arith.constant 0 : index
    %swap3A_30 = arith.constant 0 : index
    %swap3A_31 = arith.constant 1024 : index
    %swap3A_32 = vector.load %arg4[%swap3A_29, %swap3A_30, %swap3A_31] : memref<10x32x4096xf32, #tpu.memory_space<vmem>>, vector<1x32x1024xf32>
    %swap3A_33 = vector.shape_cast %swap3A_32 : vector<1x32x1024xf32> to vector<32x1024xf32>
    %swap3A_34 = vector.shape_cast %add3A_28 : vector<32x1024xf32> to vector<1x32x1024xf32>
    tpu.vector_store %arg4[%swap3A_29, %swap3A_30, %swap3A_31], %swap3A_34 {strides = array<i32>} : memref<10x32x4096xf32, #tpu.memory_space<vmem>>, vector<1x32x1024xf32>,
    %slice3A_35 = vector.extract_strided_slice %get3A_14 {offsets = [0, 64], sizes = [1024, 32], strides = [1, 1]} : vector<1024x128xf32> to vector<1024x32xf32>
    %dot_general3A_36 = arith.constant dense<0.000000e+00> : vector<32x1024xf32>
    %dot_general3A_37 = tpu.matmul %convert_element_type3A_3, %slice3A_35, %dot_general3A_36 {dimension_numbers = #tpu.dot_dimension_numbers<[1], [1], [0], [0], [0, 0, 1, 0], [], []>, transpose_lhs_hint = false} : vector<32x32xf32>, vector<1024x32xf32>, vector<32x1024xf32> -> vector<32x1024xf32>
    %slice3A_38 = vector.extract_strided_slice %dot_general3A_11 {offsets = [0, 2048], sizes = [32, 1024], strides = [1, 1]} : vector<32x4096xf32> to vector<32x1024xf32>
    %add3A_39 = arith.addf %slice3A_38, %dot_general3A_37 : vector<32x1024xf32>
    %swap3A_40 = arith.constant 0 : index
    %swap3A_41 = arith.constant 0 : index
    %swap3A_42 = arith.constant 2048 : index
    %swap3A_43 = vector.load %arg4[%swap3A_40, %swap3A_41, %swap3A_42] : memref<10x32x4096xf32, #tpu.memory_space<vmem>>, vector<1x32x1024xf32>
    %swap3A_44 = vector.shape_cast %swap3A_43 : vector<1x32x1024xf32> to vector<32x1024xf32>
    %swap3A_45 = vector.shape_cast %add3A_39 : vector<32x1024xf32> to vector<1x32x1024xf32>
    tpu.vector_store %arg4[%swap3A_40, %swap3A_41, %swap3A_42], %swap3A_45 {strides = array<i32>} : memref<10x32x4096xf32, #tpu.memory_space<vmem>>, vector<1x32x1024xf32>,
    %slice3A_46 = vector.extract_strided_slice %get3A_14 {offsets = [0, 96], sizes = [1024, 32], strides = [1, 1]} : vector<1024x128xf32> to vector<1024x32xf32>
    %dot_general3A_47 = arith.constant dense<0.000000e+00> : vector<32x1024xf32>
    %dot_general3A_48 = tpu.matmul %convert_element_type3A_3, %slice3A_46, %dot_general3A_47 {dimension_numbers = #tpu.dot_dimension_numbers<[1], [1], [0], [0], [0, 0, 1, 0], [], []>, transpose_lhs_hint = false} : vector<32x32xf32>, vector<1024x32xf32>, vector<32x1024xf32> -> vector<32x1024xf32>
    %slice3A_49 = vector.extract_strided_slice %dot_general3A_11 {offsets = [0, 3072], sizes = [32, 1024], strides = [1, 1]} : vector<32x4096xf32> to vector<32x1024xf32>
    %add3A_50 = arith.addf %slice3A_49, %dot_general3A_48 : vector<32x1024xf32>
    %swap3A_51 = arith.constant 0 : index
    %swap3A_52 = arith.constant 0 : index
    %swap3A_53 = arith.constant 3072 : index
    %swap3A_54 = vector.load %arg4[%swap3A_51, %swap3A_52, %swap3A_53] : memref<10x32x4096xf32, #tpu.memory_space<vmem>>, vector<1x32x1024xf32>
    %swap3A_55 = vector.shape_cast %swap3A_54 : vector<1x32x1024xf32> to vector<32x1024xf32>
    %swap3A_56 = vector.shape_cast %add3A_50 : vector<32x1024xf32> to vector<1x32x1024xf32>
    tpu.vector_store %arg4[%swap3A_51, %swap3A_52, %swap3A_53], %swap3A_56 {strides = array<i32>} : memref<10x32x4096xf32, #tpu.memory_space<vmem>>, vector<1x32x1024xf32>,
    %get3A_57 = arith.constant 1 : index
    %get3A_58 = arith.constant 0 : index
    %get3A_59 = arith.constant 0 : index
    %get3A_60 = vector.load %arg1[%get3A_57, %get3A_58, %get3A_59] : memref<10x64x4096xf32, #tpu.memory_space<vmem>>, vector<1x64x4096xf32>
    %get3A_61 = vector.shape_cast %get3A_60 : vector<1x64x4096xf32> to vector<64x4096xf32>
    %get3A_62 = arith.constant 0 : index
    %get3A_63 = arith.constant 0 : index
    %get3A_64 = vector.load %arg3[%get3A_62, %get3A_63] : memref<64x32xf32, #tpu.memory_space<vmem>>, vector<64x32xf32>
    %dot_general3A_65 = arith.constant dense<0.000000e+00> : vector<32x4096xf32>
    %dot_general3A_66 = tpu.matmul %get3A_64, %get3A_61, %dot_general3A_65 {dimension_numbers = #tpu.dot_dimension_numbers<[0], [0], [1], [1], [0, 1, 1, 1], [], []>, transpose_lhs_hint = true} : vector<64x32xf32>, vector<64x4096xf32>, vector<32x4096xf32> -> vector<32x4096xf32>
    %get3A_67 = arith.constant 1024 : index
    %get3A_68 = arith.constant 0 : index
    %get3A_69 = vector.load %arg2[%get3A_67, %get3A_68] : memref<10240x128xf32, #tpu.memory_space<vmem>>, vector<1024x128xf32>
    %slice3A_70 = vector.extract_strided_slice %get3A_69 {offsets = [0, 0], sizes = [1024, 32], strides = [1, 1]} : vector<1024x128xf32> to vector<1024x32xf32>
    %dot_general3A_71 = arith.constant dense<0.000000e+00> : vector<32x1024xf32>
    %dot_general3A_72 = tpu.matmul %convert_element_type3A_3, %slice3A_70, %dot_general3A_71 {dimension_numbers = #tpu.dot_dimension_numbers<[1], [1], [0], [0], [0, 0, 1, 0], [], []>, transpose_lhs_hint = false} : vector<32x32xf32>, vector<1024x32xf32>, vector<32x1024xf32> -> vector<32x1024xf32>
    %slice3A_73 = vector.extract_strided_slice %dot_general3A_66 {offsets = [0, 0], sizes = [32, 1024], strides = [1, 1]} : vector<32x4096xf32> to vector<32x1024xf32>
    %add3A_74 = arith.addf %slice3A_73, %dot_general3A_72 : vector<32x1024xf32>
    %swap3A_75 = arith.constant 1 : index
    %swap3A_76 = arith.constant 0 : index
    %swap3A_77 = arith.constant 0 : index
    %swap3A_78 = vector.load %arg4[%swap3A_75, %swap3A_76, %swap3A_77] : memref<10x32x4096xf32, #tpu.memory_space<vmem>>, vector<1x32x1024xf32>
    %swap3A_79 = vector.shape_cast %swap3A_78 : vector<1x32x1024xf32> to vector<32x1024xf32>
    %swap3A_80 = vector.shape_cast %add3A_74 : vector<32x1024xf32> to vector<1x32x1024xf32>
    tpu.vector_store %arg4[%swap3A_75, %swap3A_76, %swap3A_77], %swap3A_80 {strides = array<i32>} : memref<10x32x4096xf32, #tpu.memory_space<vmem>>, vector<1x32x1024xf32>,
    %slice3A_81 = vector.extract_strided_slice %get3A_69 {offsets = [0, 32], sizes = [1024, 32], strides = [1, 1]} : vector<1024x128xf32> to vector<1024x32xf32>
    %dot_general3A_82 = arith.constant dense<0.000000e+00> : vector<32x1024xf32>
    %dot_general3A_83 = tpu.matmul %convert_element_type3A_3, %slice3A_81, %dot_general3A_82 {dimension_numbers = #tpu.dot_dimension_numbers<[1], [1], [0], [0], [0, 0, 1, 0], [], []>, transpose_lhs_hint = false} : vector<32x32xf32>, vector<1024x32xf32>, vector<32x1024xf32> -> vector<32x1024xf32>
    %slice3A_84 = vector.extract_strided_slice %dot_general3A_66 {offsets = [0, 1024], sizes = [32, 1024], strides = [1, 1]} : vector<32x4096xf32> to vector<32x1024xf32>
    %add3A_85 = arith.addf %slice3A_84, %dot_general3A_83 : vector<32x1024xf32>
    %swap3A_86 = arith.constant 1 : index
    %swap3A_87 = arith.constant 0 : index
    %swap3A_88 = arith.constant 1024 : index
    %swap3A_89 = vector.load %arg4[%swap3A_86, %swap3A_87, %swap3A_88] : memref<10x32x4096xf32, #tpu.memory_space<vmem>>, vector<1x32x1024xf32>
    %swap3A_90 = vector.shape_cast %swap3A_89 : vector<1x32x1024xf32> to vector<32x1024xf32>
    %swap3A_91 = vector.shape_cast %add3A_85 : vector<32x1024xf32> to vector<1x32x1024xf32>
    tpu.vector_store %arg4[%swap3A_86, %swap3A_87, %swap3A_88], %swap3A_91 {strides = array<i32>} : memref<10x32x4096xf32, #tpu.memory_space<vmem>>, vector<1x32x1024xf32>,
    %slice3A_92 = vector.extract_strided_slice %get3A_69 {offsets = [0, 64], sizes = [1024, 32], strides = [1, 1]} : vector<1024x128xf32> to vector<1024x32xf32>
    %dot_general3A_93 = arith.constant dense<0.000000e+00> : vector<32x1024xf32>
    %dot_general3A_94 = tpu.matmul %convert_element_type3A_3, %slice3A_92, %dot_general3A_93 {dimension_numbers = #tpu.dot_dimension_numbers<[1], [1], [0], [0], [0, 0, 1, 0], [], []>, transpose_lhs_hint = false} : vector<32x32xf32>, vector<1024x32xf32>, vector<32x1024xf32> -> vector<32x1024xf32>
    %slice3A_95 = vector.extract_strided_slice %dot_general3A_66 {offsets = [0, 2048], sizes = [32, 1024], strides = [1, 1]} : vector<32x4096xf32> to vector<32x1024xf32>
    %add3A_96 = arith.addf %slice3A_95, %dot_general3A_94 : vector<32x1024xf32>
    %swap3A_97 = arith.constant 1 : index
    %swap3A_98 = arith.constant 0 : index
    %swap3A_99 = arith.constant 2048 : index
    %swap3A_100 = vector.load %arg4[%swap3A_97, %swap3A_98, %swap3A_99] : memref<10x32x4096xf32, #tpu.memory_space<vmem>>, vector<1x32x1024xf32>
    %swap3A_101 = vector.shape_cast %swap3A_100 : vector<1x32x1024xf32> to vector<32x1024xf32>
    %swap3A_102 = vector.shape_cast %add3A_96 : vector<32x1024xf32> to vector<1x32x1024xf32>
    tpu.vector_store %arg4[%swap3A_97, %swap3A_98, %swap3A_99], %swap3A_102 {strides = array<i32>} : memref<10x32x4096xf32, #tpu.memory_space<vmem>>, vector<1x32x1024xf32>,
    %slice3A_103 = vector.extract_strided_slice %get3A_69 {offsets = [0, 96], sizes = [1024, 32], strides = [1, 1]} : vector<1024x128xf32> to vector<1024x32xf32>
    %dot_general3A_104 = arith.constant dense<0.000000e+00> : vector<32x1024xf32>
    %dot_general3A_105 = tpu.matmul %convert_element_type3A_3, %slice3A_103, %dot_general3A_104 {dimension_numbers = #tpu.dot_dimension_numbers<[1], [1], [0], [0], [0, 0, 1, 0], [], []>, transpose_lhs_hint = false} : vector<32x32xf32>, vector<1024x32xf32>, vector<32x1024xf32> -> vector<32x1024xf32>
    %slice3A_106 = vector.extract_strided_slice %dot_general3A_66 {offsets = [0, 3072], sizes = [32, 1024], strides = [1, 1]} : vector<32x4096xf32> to vector<32x1024xf32>
    %add3A_107 = arith.addf %slice3A_106, %dot_general3A_105 : vector<32x1024xf32>
    %swap3A_108 = arith.constant 1 : index
    %swap3A_109 = arith.constant 0 : index
    %swap3A_110 = arith.constant 3072 : index
    %swap3A_111 = vector.load %arg4[%swap3A_108, %swap3A_109, %swap3A_110] : memref<10x32x4096xf32, #tpu.memory_space<vmem>>, vector<1x32x1024xf32>
    %swap3A_112 = vector.shape_cast %swap3A_111 : vector<1x32x1024xf32> to vector<32x1024xf32>
    %swap3A_113 = vector.shape_cast %add3A_107 : vector<32x1024xf32> to vector<1x32x1024xf32>
    tpu.vector_store %arg4[%swap3A_108, %swap3A_109, %swap3A_110], %swap3A_113 {strides = array<i32>} : memref<10x32x4096xf32, #tpu.memory_space<vmem>>, vector<1x32x1024xf32>,
    %get3A_114 = arith.constant 2 : index
    %get3A_115 = arith.constant 0 : index
    %get3A_116 = arith.constant 0 : index
    %get3A_117 = vector.load %arg1[%get3A_114, %get3A_115, %get3A_116] : memref<10x64x4096xf32, #tpu.memory_space<vmem>>, vector<1x64x4096xf32>
    %get3A_118 = vector.shape_cast %get3A_117 : vector<1x64x4096xf32> to vector<64x4096xf32>
    %get3A_119 = arith.constant 0 : index
    %get3A_120 = arith.constant 0 : index
    %get3A_121 = vector.load %arg3[%get3A_119, %get3A_120] : memref<64x32xf32, #tpu.memory_space<vmem>>, vector<64x32xf32>
    %dot_general3A_122 = arith.constant dense<0.000000e+00> : vector<32x4096xf32>
    %dot_general3A_123 = tpu.matmul %get3A_121, %get3A_118, %dot_general3A_122 {dimension_numbers = #tpu.dot_dimension_numbers<[0], [0], [1], [1], [0, 1, 1, 1], [], []>, transpose_lhs_hint = true} : vector<64x32xf32>, vector<64x4096xf32>, vector<32x4096xf32> -> vector<32x4096xf32>
    %get3A_124 = arith.constant 2048 : index
    %get3A_125 = arith.constant 0 : index
    %get3A_126 = vector.load %arg2[%get3A_124, %get3A_125] : memref<10240x128xf32, #tpu.memory_space<vmem>>, vector<1024x128xf32>
    %slice3A_127 = vector.extract_strided_slice %get3A_126 {offsets = [0, 0], sizes = [1024, 32], strides = [1, 1]} : vector<1024x128xf32> to vector<1024x32xf32>
    %dot_general3A_128 = arith.constant dense<0.000000e+00> : vector<32x1024xf32>
    %dot_general3A_129 = tpu.matmul %convert_element_type3A_3, %slice3A_127, %dot_general3A_128 {dimension_numbers = #tpu.dot_dimension_numbers<[1], [1], [0], [0], [0, 0, 1, 0], [], []>, transpose_lhs_hint = false} : vector<32x32xf32>, vector<1024x32xf32>, vector<32x1024xf32> -> vector<32x1024xf32>
    %slice3A_130 = vector.extract_strided_slice %dot_general3A_123 {offsets = [0, 0], sizes = [32, 1024], strides = [1, 1]} : vector<32x4096xf32> to vector<32x1024xf32>
    %add3A_131 = arith.addf %slice3A_130, %dot_general3A_129 : vector<32x1024xf32>
    %swap3A_132 = arith.constant 2 : index
    %swap3A_133 = arith.constant 0 : index
    %swap3A_134 = arith.constant 0 : index
    %swap3A_135 = vector.load %arg4[%swap3A_132, %swap3A_133, %swap3A_134] : memref<10x32x4096xf32, #tpu.memory_space<vmem>>, vector<1x32x1024xf32>
    %swap3A_136 = vector.shape_cast %swap3A_135 : vector<1x32x1024xf32> to vector<32x1024xf32>
    %swap3A_137 = vector.shape_cast %add3A_131 : vector<32x1024xf32> to vector<1x32x1024xf32>
    tpu.vector_store %arg4[%swap3A_132, %swap3A_133, %swap3A_134], %swap3A_137 {strides = array<i32>} : memref<10x32x4096xf32, #tpu.memory_space<vmem>>, vector<1x32x1024xf32>,
    %slice3A_138 = vector.extract_strided_slice %get3A_126 {offsets = [0, 32], sizes = [1024, 32], strides = [1, 1]} : vector<1024x128xf32> to vector<1024x32xf32>
    %dot_general3A_139 = arith.constant dense<0.000000e+00> : vector<32x1024xf32>
    %dot_general3A_140 = tpu.matmul %convert_element_type3A_3, %slice3A_138, %dot_general3A_139 {dimension_numbers = #tpu.dot_dimension_numbers<[1], [1], [0], [0], [0, 0, 1, 0], [], []>, transpose_lhs_hint = false} : vector<32x32xf32>, vector<1024x32xf32>, vector<32x1024xf32> -> vector<32x1024xf32>
    %slice3A_141 = vector.extract_strided_slice %dot_general3A_123 {offsets = [0, 1024], sizes = [32, 1024], strides = [1, 1]} : vector<32x4096xf32> to vector<32x1024xf32>
    %add3A_142 = arith.addf %slice3A_141, %dot_general3A_140 : vector<32x1024xf32>
    %swap3A_143 = arith.constant 2 : index
    %swap3A_144 = arith.constant 0 : index
    %swap3A_145 = arith.constant 1024 : index
    %swap3A_146 = vector.load %arg4[%swap3A_143, %swap3A_144, %swap3A_145] : memref<10x32x4096xf32, #tpu.memory_space<vmem>>, vector<1x32x1024xf32>
    %swap3A_147 = vector.shape_cast %swap3A_146 : vector<1x32x1024xf32> to vector<32x1024xf32>
    %swap3A_148 = vector.shape_cast %add3A_142 : vector<32x1024xf32> to vector<1x32x1024xf32>
    tpu.vector_store %arg4[%swap3A_143, %swap3A_144, %swap3A_145], %swap3A_148 {strides = array<i32>} : memref<10x32x4096xf32, #tpu.memory_space<vmem>>, vector<1x32x1024xf32>,
    %slice3A_149 = vector.extract_strided_slice %get3A_126 {offsets = [0, 64], sizes = [1024, 32], strides = [1, 1]} : vector<1024x128xf32> to vector<1024x32xf32>
    %dot_general3A_150 = arith.constant dense<0.000000e+00> : vector<32x1024xf32>
    %dot_general3A_151 = tpu.matmul %convert_element_type3A_3, %slice3A_149, %dot_general3A_150 {dimension_numbers = #tpu.dot_dimension_numbers<[1], [1], [0], [0], [0, 0, 1, 0], [], []>, transpose_lhs_hint = false} : vector<32x32xf32>, vector<1024x32xf32>, vector<32x1024xf32> -> vector<32x1024xf32>
    %slice3A_152 = vector.extract_strided_slice %dot_general3A_123 {offsets = [0, 2048], sizes = [32, 1024], strides = [1, 1]} : vector<32x4096xf32> to vector<32x1024xf32>
    %add3A_153 = arith.addf %slice3A_152, %dot_general3A_151 : vector<32x1024xf32>
    %swap3A_154 = arith.constant 2 : index
    %swap3A_155 = arith.constant 0 : index
    %swap3A_156 = arith.constant 2048 : index
    %swap3A_157 = vector.load %arg4[%swap3A_154, %swap3A_155, %swap3A_156] : memref<10x32x4096xf32, #tpu.memory_space<vmem>>, vector<1x32x1024xf32>
    %swap3A_158 = vector.shape_cast %swap3A_157 : vector<1x32x1024xf32> to vector<32x1024xf32>
    %swap3A_159 = vector.shape_cast %add3A_153 : vector<32x1024xf32> to vector<1x32x1024xf32>
    tpu.vector_store %arg4[%swap3A_154, %swap3A_155, %swap3A_156], %swap3A_159 {strides = array<i32>} : memref<10x32x4096xf32, #tpu.memory_space<vmem>>, vector<1x32x1024xf32>,
    %slice3A_160 = vector.extract_strided_slice %get3A_126 {offsets = [0, 96], sizes = [1024, 32], strides = [1, 1]} : vector<1024x128xf32> to vector<1024x32xf32>
    %dot_general3A_161 = arith.constant dense<0.000000e+00> : vector<32x1024xf32>
    %dot_general3A_162 = tpu.matmul %convert_element_type3A_3, %slice3A_160, %dot_general3A_161 {dimension_numbers = #tpu.dot_dimension_numbers<[1], [1], [0], [0], [0, 0, 1, 0], [], []>, transpose_lhs_hint = false} : vector<32x32xf32>, vector<1024x32xf32>, vector<32x1024xf32> -> vector<32x1024xf32>
    %slice3A_163 = vector.extract_strided_slice %dot_general3A_123 {offsets = [0, 3072], sizes = [32, 1024], strides = [1, 1]} : vector<32x4096xf32> to vector<32x1024xf32>
    %add3A_164 = arith.addf %slice3A_163, %dot_general3A_162 : vector<32x1024xf32>
    %swap3A_165 = arith.constant 2 : index
    %swap3A_166 = arith.constant 0 : index
    %swap3A_167 = arith.constant 3072 : index
    %swap3A_168 = vector.load %arg4[%swap3A_165, %swap3A_166, %swap3A_167] : memref<10x32x4096xf32, #tpu.memory_space<vmem>>, vector<1x32x1024xf32>
    %swap3A_169 = vector.shape_cast %swap3A_168 : vector<1x32x1024xf32> to vector<32x1024xf32>
    %swap3A_170 = vector.shape_cast %add3A_164 : vector<32x1024xf32> to vector<1x32x1024xf32>
    tpu.vector_store %arg4[%swap3A_165, %swap3A_166, %swap3A_167], %swap3A_170 {strides = array<i32>} : memref<10x32x4096xf32, #tpu.memory_space<vmem>>, vector<1x32x1024xf32>,
    %get3A_171 = arith.constant 3 : index
    %get3A_172 = arith.constant 0 : index
    %get3A_173 = arith.constant 0 : index
    %get3A_174 = vector.load %arg1[%get3A_171, %get3A_172, %get3A_173] : memref<10x64x4096xf32, #tpu.memory_space<vmem>>, vector<1x64x4096xf32>
    %get3A_175 = vector.shape_cast %get3A_174 : vector<1x64x4096xf32> to vector<64x4096xf32>
    %get3A_176 = arith.constant 0 : index
    %get3A_177 = arith.constant 0 : index
    %get3A_178 = vector.load %arg3[%get3A_176, %get3A_177] : memref<64x32xf32, #tpu.memory_space<vmem>>, vector<64x32xf32>
    %dot_general3A_179 = arith.constant dense<0.000000e+00> : vector<32x4096xf32>
    %dot_general3A_180 = tpu.matmul %get3A_178, %get3A_175, %dot_general3A_179 {dimension_numbers = #tpu.dot_dimension_numbers<[0], [0], [1], [1], [0, 1, 1, 1], [], []>, transpose_lhs_hint = true} : vector<64x32xf32>, vector<64x4096xf32>, vector<32x4096xf32> -> vector<32x4096xf32>
    %get3A_181 = arith.constant 3072 : index
    %get3A_182 = arith.constant 0 : index
    %get3A_183 = vector.load %arg2[%get3A_181, %get3A_182] : memref<10240x128xf32, #tpu.memory_space<vmem>>, vector<1024x128xf32>
    %slice3A_184 = vector.extract_strided_slice %get3A_183 {offsets = [0, 0], sizes = [1024, 32], strides = [1, 1]} : vector<1024x128xf32> to vector<1024x32xf32>
    %dot_general3A_185 = arith.constant dense<0.000000e+00> : vector<32x1024xf32>
    %dot_general3A_186 = tpu.matmul %convert_element_type3A_3, %slice3A_184, %dot_general3A_185 {dimension_numbers = #tpu.dot_dimension_numbers<[1], [1], [0], [0], [0, 0, 1, 0], [], []>, transpose_lhs_hint = false} : vector<32x32xf32>, vector<1024x32xf32>, vector<32x1024xf32> -> vector<32x1024xf32>
    %slice3A_187 = vector.extract_strided_slice %dot_general3A_180 {offsets = [0, 0], sizes = [32, 1024], strides = [1, 1]} : vector<32x4096xf32> to vector<32x1024xf32>
    %add3A_188 = arith.addf %slice3A_187, %dot_general3A_186 : vector<32x1024xf32>
    %swap3A_189 = arith.constant 3 : index
    %swap3A_190 = arith.constant 0 : index
    %swap3A_191 = arith.constant 0 : index
    %swap3A_192 = vector.load %arg4[%swap3A_189, %swap3A_190, %swap3A_191] : memref<10x32x4096xf32, #tpu.memory_space<vmem>>, vector<1x32x1024xf32>
    %swap3A_193 = vector.shape_cast %swap3A_192 : vector<1x32x1024xf32> to vector<32x1024xf32>
    %swap3A_194 = vector.shape_cast %add3A_188 : vector<32x1024xf32> to vector<1x32x1024xf32>
    tpu.vector_store %arg4[%swap3A_189, %swap3A_190, %swap3A_191], %swap3A_194 {strides = array<i32>} : memref<10x32x4096xf32, #tpu.memory_space<vmem>>, vector<1x32x1024xf32>,
    %slice3A_195 = vector.extract_strided_slice %get3A_183 {offsets = [0, 32], sizes = [1024, 32], strides = [1, 1]} : vector<1024x128xf32> to vector<1024x32xf32>
    %dot_general3A_196 = arith.constant dense<0.000000e+00> : vector<32x1024xf32>
    %dot_general3A_197 = tpu.matmul %convert_element_type3A_3, %slice3A_195, %dot_general3A_196 {dimension_numbers = #tpu.dot_dimension_numbers<[1], [1], [0], [0], [0, 0, 1, 0], [], []>, transpose_lhs_hint = false} : vector<32x32xf32>, vector<1024x32xf32>, vector<32x1024xf32> -> vector<32x1024xf32>
    %slice3A_198 = vector.extract_strided_slice %dot_general3A_180 {offsets = [0, 1024], sizes = [32, 1024], strides = [1, 1]} : vector<32x4096xf32> to vector<32x1024xf32>
    %add3A_199 = arith.addf %slice3A_198, %dot_general3A_197 : vector<32x1024xf32>
    %swap3A_200 = arith.constant 3 : index
    %swap3A_201 = arith.constant 0 : index
    %swap3A_202 = arith.constant 1024 : index
    %swap3A_203 = vector.load %arg4[%swap3A_200, %swap3A_201, %swap3A_202] : memref<10x32x4096xf32, #tpu.memory_space<vmem>>, vector<1x32x1024xf32>
    %swap3A_204 = vector.shape_cast %swap3A_203 : vector<1x32x1024xf32> to vector<32x1024xf32>
    %swap3A_205 = vector.shape_cast %add3A_199 : vector<32x1024xf32> to vector<1x32x1024xf32>
    tpu.vector_store %arg4[%swap3A_200, %swap3A_201, %swap3A_202], %swap3A_205 {strides = array<i32>} : memref<10x32x4096xf32, #tpu.memory_space<vmem>>, vector<1x32x1024xf32>,
    %slice3A_206 = vector.extract_strided_slice %get3A_183 {offsets = [0, 64], sizes = [1024, 32], strides = [1, 1]} : vector<1024x128xf32> to vector<1024x32xf32>
    %dot_general3A_207 = arith.constant dense<0.000000e+00> : vector<32x1024xf32>
    %dot_general3A_208 = tpu.matmul %convert_element_type3A_3, %slice3A_206, %dot_general3A_207 {dimension_numbers = #tpu.dot_dimension_numbers<[1], [1], [0], [0], [0, 0, 1, 0], [], []>, transpose_lhs_hint = false} : vector<32x32xf32>, vector<1024x32xf32>, vector<32x1024xf32> -> vector<32x1024xf32>
    %slice3A_209 = vector.extract_strided_slice %dot_general3A_180 {offsets = [0, 2048], sizes = [32, 1024], strides = [1, 1]} : vector<32x4096xf32> to vector<32x1024xf32>
    %add3A_210 = arith.addf %slice3A_209, %dot_general3A_208 : vector<32x1024xf32>
    %swap3A_211 = arith.constant 3 : index
    %swap3A_212 = arith.constant 0 : index
    %swap3A_213 = arith.constant 2048 : index
    %swap3A_214 = vector.load %arg4[%swap3A_211, %swap3A_212, %swap3A_213] : memref<10x32x4096xf32, #tpu.memory_space<vmem>>, vector<1x32x1024xf32>
    %swap3A_215 = vector.shape_cast %swap3A_214 : vector<1x32x1024xf32> to vector<32x1024xf32>
    %swap3A_216 = vector.shape_cast %add3A_210 : vector<32x1024xf32> to vector<1x32x1024xf32>
    tpu.vector_store %arg4[%swap3A_211, %swap3A_212, %swap3A_213], %swap3A_216 {strides = array<i32>} : memref<10x32x4096xf32, #tpu.memory_space<vmem>>, vector<1x32x1024xf32>,
    %slice3A_217 = vector.extract_strided_slice %get3A_183 {offsets = [0, 96], sizes = [1024, 32], strides = [1, 1]} : vector<1024x128xf32> to vector<1024x32xf32>
    %dot_general3A_218 = arith.constant dense<0.000000e+00> : vector<32x1024xf32>
    %dot_general3A_219 = tpu.matmul %convert_element_type3A_3, %slice3A_217, %dot_general3A_218 {dimension_numbers = #tpu.dot_dimension_numbers<[1], [1], [0], [0], [0, 0, 1, 0], [], []>, transpose_lhs_hint = false} : vector<32x32xf32>, vector<1024x32xf32>, vector<32x1024xf32> -> vector<32x1024xf32>
    %slice3A_220 = vector.extract_strided_slice %dot_general3A_180 {offsets = [0, 3072], sizes = [32, 1024], strides = [1, 1]} : vector<32x4096xf32> to vector<32x1024xf32>
    %add3A_221 = arith.addf %slice3A_220, %dot_general3A_219 : vector<32x1024xf32>
    %swap3A_222 = arith.constant 3 : index
    %swap3A_223 = arith.constant 0 : index
    %swap3A_224 = arith.constant 3072 : index
    %swap3A_225 = vector.load %arg4[%swap3A_222, %swap3A_223, %swap3A_224] : memref<10x32x4096xf32, #tpu.memory_space<vmem>>, vector<1x32x1024xf32>
    %swap3A_226 = vector.shape_cast %swap3A_225 : vector<1x32x1024xf32> to vector<32x1024xf32>
    %swap3A_227 = vector.shape_cast %add3A_221 : vector<32x1024xf32> to vector<1x32x1024xf32>
    tpu.vector_store %arg4[%swap3A_222, %swap3A_223, %swap3A_224], %swap3A_227 {strides = array<i32>} : memref<10x32x4096xf32, #tpu.memory_space<vmem>>, vector<1x32x1024xf32>,
    %get3A_228 = arith.constant 4 : index
    %get3A_229 = arith.constant 0 : index
    %get3A_230 = arith.constant 0 : index
    %get3A_231 = vector.load %arg1[%get3A_228, %get3A_229, %get3A_230] : memref<10x64x4096xf32, #tpu.memory_space<vmem>>, vector<1x64x4096xf32>
    %get3A_232 = vector.shape_cast %get3A_231 : vector<1x64x4096xf32> to vector<64x4096xf32>
    %get3A_233 = arith.constant 0 : index
    %get3A_234 = arith.constant 0 : index
    %get3A_235 = vector.load %arg3[%get3A_233, %get3A_234] : memref<64x32xf32, #tpu.memory_space<vmem>>, vector<64x32xf32>
    %dot_general3A_236 = arith.constant dense<0.000000e+00> : vector<32x4096xf32>
    %dot_general3A_237 = tpu.matmul %get3A_235, %get3A_232, %dot_general3A_236 {dimension_numbers = #tpu.dot_dimension_numbers<[0], [0], [1], [1], [0, 1, 1, 1], [], []>, transpose_lhs_hint = true} : vector<64x32xf32>, vector<64x4096xf32>, vector<32x4096xf32> -> vector<32x4096xf32>
    %get3A_238 = arith.constant 4096 : index
    %get3A_239 = arith.constant 0 : index
    %get3A_240 = vector.load %arg2[%get3A_238, %get3A_239] : memref<10240x128xf32, #tpu.memory_space<vmem>>, vector<1024x128xf32>
    %slice3A_241 = vector.extract_strided_slice %get3A_240 {offsets = [0, 0], sizes = [1024, 32], strides = [1, 1]} : vector<1024x128xf32> to vector<1024x32xf32>
    %dot_general3A_242 = arith.constant dense<0.000000e+00> : vector<32x1024xf32>
    %dot_general3A_243 = tpu.matmul %convert_element_type3A_3, %slice3A_241, %dot_general3A_242 {dimension_numbers = #tpu.dot_dimension_numbers<[1], [1], [0], [0], [0, 0, 1, 0], [], []>, transpose_lhs_hint = false} : vector<32x32xf32>, vector<1024x32xf32>, vector<32x1024xf32> -> vector<32x1024xf32>
    %slice3A_244 = vector.extract_strided_slice %dot_general3A_237 {offsets = [0, 0], sizes = [32, 1024], strides = [1, 1]} : vector<32x4096xf32> to vector<32x1024xf32>
    %add3A_245 = arith.addf %slice3A_244, %dot_general3A_243 : vector<32x1024xf32>
    %swap3A_246 = arith.constant 4 : index
    %swap3A_247 = arith.constant 0 : index
    %swap3A_248 = arith.constant 0 : index
    %swap3A_249 = vector.load %arg4[%swap3A_246, %swap3A_247, %swap3A_248] : memref<10x32x4096xf32, #tpu.memory_space<vmem>>, vector<1x32x1024xf32>
    %swap3A_250 = vector.shape_cast %swap3A_249 : vector<1x32x1024xf32> to vector<32x1024xf32>
    %swap3A_251 = vector.shape_cast %add3A_245 : vector<32x1024xf32> to vector<1x32x1024xf32>
    tpu.vector_store %arg4[%swap3A_246, %swap3A_247, %swap3A_248], %swap3A_251 {strides = array<i32>} : memref<10x32x4096xf32, #tpu.memory_space<vmem>>, vector<1x32x1024xf32>,
    %slice3A_252 = vector.extract_strided_slice %get3A_240 {offsets = [0, 32], sizes = [1024, 32], strides = [1, 1]} : vector<1024x128xf32> to vector<1024x32xf32>
    %dot_general3A_253 = arith.constant dense<0.000000e+00> : vector<32x1024xf32>
    %dot_general3A_254 = tpu.matmul %convert_element_type3A_3, %slice3A_252, %dot_general3A_253 {dimension_numbers = #tpu.dot_dimension_numbers<[1], [1], [0], [0], [0, 0, 1, 0], [], []>, transpose_lhs_hint = false} : vector<32x32xf32>, vector<1024x32xf32>, vector<32x1024xf32> -> vector<32x1024xf32>
    %slice3A_255 = vector.extract_strided_slice %dot_general3A_237 {offsets = [0, 1024], sizes = [32, 1024], strides = [1, 1]} : vector<32x4096xf32> to vector<32x1024xf32>
    %add3A_256 = arith.addf %slice3A_255, %dot_general3A_254 : vector<32x1024xf32>
    %swap3A_257 = arith.constant 4 : index
    %swap3A_258 = arith.constant 0 : index
    %swap3A_259 = arith.constant 1024 : index
    %swap3A_260 = vector.load %arg4[%swap3A_257, %swap3A_258, %swap3A_259] : memref<10x32x4096xf32, #tpu.memory_space<vmem>>, vector<1x32x1024xf32>
    %swap3A_261 = vector.shape_cast %swap3A_260 : vector<1x32x1024xf32> to vector<32x1024xf32>
    %swap3A_262 = vector.shape_cast %add3A_256 : vector<32x1024xf32> to vector<1x32x1024xf32>
    tpu.vector_store %arg4[%swap3A_257, %swap3A_258, %swap3A_259], %swap3A_262 {strides = array<i32>} : memref<10x32x4096xf32, #tpu.memory_space<vmem>>, vector<1x32x1024xf32>,
    %slice3A_263 = vector.extract_strided_slice %get3A_240 {offsets = [0, 64], sizes = [1024, 32], strides = [1, 1]} : vector<1024x128xf32> to vector<1024x32xf32>
    %dot_general3A_264 = arith.constant dense<0.000000e+00> : vector<32x1024xf32>
    %dot_general3A_265 = tpu.matmul %convert_element_type3A_3, %slice3A_263, %dot_general3A_264 {dimension_numbers = #tpu.dot_dimension_numbers<[1], [1], [0], [0], [0, 0, 1, 0], [], []>, transpose_lhs_hint = false} : vector<32x32xf32>, vector<1024x32xf32>, vector<32x1024xf32> -> vector<32x1024xf32>
    %slice3A_266 = vector.extract_strided_slice %dot_general3A_237 {offsets = [0, 2048], sizes = [32, 1024], strides = [1, 1]} : vector<32x4096xf32> to vector<32x1024xf32>
    %add3A_267 = arith.addf %slice3A_266, %dot_general3A_265 : vector<32x1024xf32>
    %swap3A_268 = arith.constant 4 : index
    %swap3A_269 = arith.constant 0 : index
    %swap3A_270 = arith.constant 2048 : index
    %swap3A_271 = vector.load %arg4[%swap3A_268, %swap3A_269, %swap3A_270] : memref<10x32x4096xf32, #tpu.memory_space<vmem>>, vector<1x32x1024xf32>
    %swap3A_272 = vector.shape_cast %swap3A_271 : vector<1x32x1024xf32> to vector<32x1024xf32>
    %swap3A_273 = vector.shape_cast %add3A_267 : vector<32x1024xf32> to vector<1x32x1024xf32>
    tpu.vector_store %arg4[%swap3A_268, %swap3A_269, %swap3A_270], %swap3A_273 {strides = array<i32>} : memref<10x32x4096xf32, #tpu.memory_space<vmem>>, vector<1x32x1024xf32>,
    %slice3A_274 = vector.extract_strided_slice %get3A_240 {offsets = [0, 96], sizes = [1024, 32], strides = [1, 1]} : vector<1024x128xf32> to vector<1024x32xf32>
    %dot_general3A_275 = arith.constant dense<0.000000e+00> : vector<32x1024xf32>
    %dot_general3A_276 = tpu.matmul %convert_element_type3A_3, %slice3A_274, %dot_general3A_275 {dimension_numbers = #tpu.dot_dimension_numbers<[1], [1], [0], [0], [0, 0, 1, 0], [], []>, transpose_lhs_hint = false} : vector<32x32xf32>, vector<1024x32xf32>, vector<32x1024xf32> -> vector<32x1024xf32>
    %slice3A_277 = vector.extract_strided_slice %dot_general3A_237 {offsets = [0, 3072], sizes = [32, 1024], strides = [1, 1]} : vector<32x4096xf32> to vector<32x1024xf32>
    %add3A_278 = arith.addf %slice3A_277, %dot_general3A_276 : vector<32x1024xf32>
    %swap3A_279 = arith.constant 4 : index
    %swap3A_280 = arith.constant 0 : index
    %swap3A_281 = arith.constant 3072 : index
    %swap3A_282 = vector.load %arg4[%swap3A_279, %swap3A_280, %swap3A_281] : memref<10x32x4096xf32, #tpu.memory_space<vmem>>, vector<1x32x1024xf32>
    %swap3A_283 = vector.shape_cast %swap3A_282 : vector<1x32x1024xf32> to vector<32x1024xf32>
    %swap3A_284 = vector.shape_cast %add3A_278 : vector<32x1024xf32> to vector<1x32x1024xf32>
    tpu.vector_store %arg4[%swap3A_279, %swap3A_280, %swap3A_281], %swap3A_284 {strides = array<i32>} : memref<10x32x4096xf32, #tpu.memory_space<vmem>>, vector<1x32x1024xf32>,
    %get3A_285 = arith.constant 5 : index
    %get3A_286 = arith.constant 0 : index
    %get3A_287 = arith.constant 0 : index
    %get3A_288 = vector.load %arg1[%get3A_285, %get3A_286, %get3A_287] : memref<10x64x4096xf32, #tpu.memory_space<vmem>>, vector<1x64x4096xf32>
    %get3A_289 = vector.shape_cast %get3A_288 : vector<1x64x4096xf32> to vector<64x4096xf32>
    %get3A_290 = arith.constant 0 : index
    %get3A_291 = arith.constant 0 : index
    %get3A_292 = vector.load %arg3[%get3A_290, %get3A_291] : memref<64x32xf32, #tpu.memory_space<vmem>>, vector<64x32xf32>
    %dot_general3A_293 = arith.constant dense<0.000000e+00> : vector<32x4096xf32>
    %dot_general3A_294 = tpu.matmul %get3A_292, %get3A_289, %dot_general3A_293 {dimension_numbers = #tpu.dot_dimension_numbers<[0], [0], [1], [1], [0, 1, 1, 1], [], []>, transpose_lhs_hint = true} : vector<64x32xf32>, vector<64x4096xf32>, vector<32x4096xf32> -> vector<32x4096xf32>
    %get3A_295 = arith.constant 5120 : index
    %get3A_296 = arith.constant 0 : index
    %get3A_297 = vector.load %arg2[%get3A_295, %get3A_296] : memref<10240x128xf32, #tpu.memory_space<vmem>>, vector<1024x128xf32>
    %slice3A_298 = vector.extract_strided_slice %get3A_297 {offsets = [0, 0], sizes = [1024, 32], strides = [1, 1]} : vector<1024x128xf32> to vector<1024x32xf32>
    %dot_general3A_299 = arith.constant dense<0.000000e+00> : vector<32x1024xf32>
    %dot_general3A_300 = tpu.matmul %convert_element_type3A_3, %slice3A_298, %dot_general3A_299 {dimension_numbers = #tpu.dot_dimension_numbers<[1], [1], [0], [0], [0, 0, 1, 0], [], []>, transpose_lhs_hint = false} : vector<32x32xf32>, vector<1024x32xf32>, vector<32x1024xf32> -> vector<32x1024xf32>
    %slice3A_301 = vector.extract_strided_slice %dot_general3A_294 {offsets = [0, 0], sizes = [32, 1024], strides = [1, 1]} : vector<32x4096xf32> to vector<32x1024xf32>
    %add3A_302 = arith.addf %slice3A_301, %dot_general3A_300 : vector<32x1024xf32>
    %swap3A_303 = arith.constant 5 : index
    %swap3A_304 = arith.constant 0 : index
    %swap3A_305 = arith.constant 0 : index
    %swap3A_306 = vector.load %arg4[%swap3A_303, %swap3A_304, %swap3A_305] : memref<10x32x4096xf32, #tpu.memory_space<vmem>>, vector<1x32x1024xf32>
    %swap3A_307 = vector.shape_cast %swap3A_306 : vector<1x32x1024xf32> to vector<32x1024xf32>
    %swap3A_308 = vector.shape_cast %add3A_302 : vector<32x1024xf32> to vector<1x32x1024xf32>
    tpu.vector_store %arg4[%swap3A_303, %swap3A_304, %swap3A_305], %swap3A_308 {strides = array<i32>} : memref<10x32x4096xf32, #tpu.memory_space<vmem>>, vector<1x32x1024xf32>,
    %slice3A_309 = vector.extract_strided_slice %get3A_297 {offsets = [0, 32], sizes = [1024, 32], strides = [1, 1]} : vector<1024x128xf32> to vector<1024x32xf32>
    %dot_general3A_310 = arith.constant dense<0.000000e+00> : vector<32x1024xf32>
    %dot_general3A_311 = tpu.matmul %convert_element_type3A_3, %slice3A_309, %dot_general3A_310 {dimension_numbers = #tpu.dot_dimension_numbers<[1], [1], [0], [0], [0, 0, 1, 0], [], []>, transpose_lhs_hint = false} : vector<32x32xf32>, vector<1024x32xf32>, vector<32x1024xf32> -> vector<32x1024xf32>
    %slice3A_312 = vector.extract_strided_slice %dot_general3A_294 {offsets = [0, 1024], sizes = [32, 1024], strides = [1, 1]} : vector<32x4096xf32> to vector<32x1024xf32>
    %add3A_313 = arith.addf %slice3A_312, %dot_general3A_311 : vector<32x1024xf32>
    %swap3A_314 = arith.constant 5 : index
    %swap3A_315 = arith.constant 0 : index
    %swap3A_316 = arith.constant 1024 : index
    %swap3A_317 = vector.load %arg4[%swap3A_314, %swap3A_315, %swap3A_316] : memref<10x32x4096xf32, #tpu.memory_space<vmem>>, vector<1x32x1024xf32>
    %swap3A_318 = vector.shape_cast %swap3A_317 : vector<1x32x1024xf32> to vector<32x1024xf32>
    %swap3A_319 = vector.shape_cast %add3A_313 : vector<32x1024xf32> to vector<1x32x1024xf32>
    tpu.vector_store %arg4[%swap3A_314, %swap3A_315, %swap3A_316], %swap3A_319 {strides = array<i32>} : memref<10x32x4096xf32, #tpu.memory_space<vmem>>, vector<1x32x1024xf32>,
    %slice3A_320 = vector.extract_strided_slice %get3A_297 {offsets = [0, 64], sizes = [1024, 32], strides = [1, 1]} : vector<1024x128xf32> to vector<1024x32xf32>
    %dot_general3A_321 = arith.constant dense<0.000000e+00> : vector<32x1024xf32>
    %dot_general3A_322 = tpu.matmul %convert_element_type3A_3, %slice3A_320, %dot_general3A_321 {dimension_numbers = #tpu.dot_dimension_numbers<[1], [1], [0], [0], [0, 0, 1, 0], [], []>, transpose_lhs_hint = false} : vector<32x32xf32>, vector<1024x32xf32>, vector<32x1024xf32> -> vector<32x1024xf32>
    %slice3A_323 = vector.extract_strided_slice %dot_general3A_294 {offsets = [0, 2048], sizes = [32, 1024], strides = [1, 1]} : vector<32x4096xf32> to vector<32x1024xf32>
    %add3A_324 = arith.addf %slice3A_323, %dot_general3A_322 : vector<32x1024xf32>
    %swap3A_325 = arith.constant 5 : index
    %swap3A_326 = arith.constant 0 : index
    %swap3A_327 = arith.constant 2048 : index
    %swap3A_328 = vector.load %arg4[%swap3A_325, %swap3A_326, %swap3A_327] : memref<10x32x4096xf32, #tpu.memory_space<vmem>>, vector<1x32x1024xf32>
    %swap3A_329 = vector.shape_cast %swap3A_328 : vector<1x32x1024xf32> to vector<32x1024xf32>
    %swap3A_330 = vector.shape_cast %add3A_324 : vector<32x1024xf32> to vector<1x32x1024xf32>
    tpu.vector_store %arg4[%swap3A_325, %swap3A_326, %swap3A_327], %swap3A_330 {strides = array<i32>} : memref<10x32x4096xf32, #tpu.memory_space<vmem>>, vector<1x32x1024xf32>,
    %slice3A_331 = vector.extract_strided_slice %get3A_297 {offsets = [0, 96], sizes = [1024, 32], strides = [1, 1]} : vector<1024x128xf32> to vector<1024x32xf32>
    %dot_general3A_332 = arith.constant dense<0.000000e+00> : vector<32x1024xf32>
    %dot_general3A_333 = tpu.matmul %convert_element_type3A_3, %slice3A_331, %dot_general3A_332 {dimension_numbers = #tpu.dot_dimension_numbers<[1], [1], [0], [0], [0, 0, 1, 0], [], []>, transpose_lhs_hint = false} : vector<32x32xf32>, vector<1024x32xf32>, vector<32x1024xf32> -> vector<32x1024xf32>
    %slice3A_334 = vector.extract_strided_slice %dot_general3A_294 {offsets = [0, 3072], sizes = [32, 1024], strides = [1, 1]} : vector<32x4096xf32> to vector<32x1024xf32>
    %add3A_335 = arith.addf %slice3A_334, %dot_general3A_333 : vector<32x1024xf32>
    %swap3A_336 = arith.constant 5 : index
    %swap3A_337 = arith.constant 0 : index
    %swap3A_338 = arith.constant 3072 : index
    %swap3A_339 = vector.load %arg4[%swap3A_336, %swap3A_337, %swap3A_338] : memref<10x32x4096xf32, #tpu.memory_space<vmem>>, vector<1x32x1024xf32>
    %swap3A_340 = vector.shape_cast %swap3A_339 : vector<1x32x1024xf32> to vector<32x1024xf32>
    %swap3A_341 = vector.shape_cast %add3A_335 : vector<32x1024xf32> to vector<1x32x1024xf32>
    tpu.vector_store %arg4[%swap3A_336, %swap3A_337, %swap3A_338], %swap3A_341 {strides = array<i32>} : memref<10x32x4096xf32, #tpu.memory_space<vmem>>, vector<1x32x1024xf32>,
    %get3A_342 = arith.constant 6 : index
    %get3A_343 = arith.constant 0 : index
    %get3A_344 = arith.constant 0 : index
    %get3A_345 = vector.load %arg1[%get3A_342, %get3A_343, %get3A_344] : memref<10x64x4096xf32, #tpu.memory_space<vmem>>, vector<1x64x4096xf32>
    %get3A_346 = vector.shape_cast %get3A_345 : vector<1x64x4096xf32> to vector<64x4096xf32>
    %get3A_347 = arith.constant 0 : index
    %get3A_348 = arith.constant 0 : index
    %get3A_349 = vector.load %arg3[%get3A_347, %get3A_348] : memref<64x32xf32, #tpu.memory_space<vmem>>, vector<64x32xf32>
    %dot_general3A_350 = arith.constant dense<0.000000e+00> : vector<32x4096xf32>
    %dot_general3A_351 = tpu.matmul %get3A_349, %get3A_346, %dot_general3A_350 {dimension_numbers = #tpu.dot_dimension_numbers<[0], [0], [1], [1], [0, 1, 1, 1], [], []>, transpose_lhs_hint = true} : vector<64x32xf32>, vector<64x4096xf32>, vector<32x4096xf32> -> vector<32x4096xf32>
    %get3A_352 = arith.constant 6144 : index
    %get3A_353 = arith.constant 0 : index
    %get3A_354 = vector.load %arg2[%get3A_352, %get3A_353] : memref<10240x128xf32, #tpu.memory_space<vmem>>, vector<1024x128xf32>
    %slice3A_355 = vector.extract_strided_slice %get3A_354 {offsets = [0, 0], sizes = [1024, 32], strides = [1, 1]} : vector<1024x128xf32> to vector<1024x32xf32>
    %dot_general3A_356 = arith.constant dense<0.000000e+00> : vector<32x1024xf32>
    %dot_general3A_357 = tpu.matmul %convert_element_type3A_3, %slice3A_355, %dot_general3A_356 {dimension_numbers = #tpu.dot_dimension_numbers<[1], [1], [0], [0], [0, 0, 1, 0], [], []>, transpose_lhs_hint = false} : vector<32x32xf32>, vector<1024x32xf32>, vector<32x1024xf32> -> vector<32x1024xf32>
    %slice3A_358 = vector.extract_strided_slice %dot_general3A_351 {offsets = [0, 0], sizes = [32, 1024], strides = [1, 1]} : vector<32x4096xf32> to vector<32x1024xf32>
    %add3A_359 = arith.addf %slice3A_358, %dot_general3A_357 : vector<32x1024xf32>
    %swap3A_360 = arith.constant 6 : index
    %swap3A_361 = arith.constant 0 : index
    %swap3A_362 = arith.constant 0 : index
    %swap3A_363 = vector.load %arg4[%swap3A_360, %swap3A_361, %swap3A_362] : memref<10x32x4096xf32, #tpu.memory_space<vmem>>, vector<1x32x1024xf32>
    %swap3A_364 = vector.shape_cast %swap3A_363 : vector<1x32x1024xf32> to vector<32x1024xf32>
    %swap3A_365 = vector.shape_cast %add3A_359 : vector<32x1024xf32> to vector<1x32x1024xf32>
    tpu.vector_store %arg4[%swap3A_360, %swap3A_361, %swap3A_362], %swap3A_365 {strides = array<i32>} : memref<10x32x4096xf32, #tpu.memory_space<vmem>>, vector<1x32x1024xf32>,
    %slice3A_366 = vector.extract_strided_slice %get3A_354 {offsets = [0, 32], sizes = [1024, 32], strides = [1, 1]} : vector<1024x128xf32> to vector<1024x32xf32>
    %dot_general3A_367 = arith.constant dense<0.000000e+00> : vector<32x1024xf32>
    %dot_general3A_368 = tpu.matmul %convert_element_type3A_3, %slice3A_366, %dot_general3A_367 {dimension_numbers = #tpu.dot_dimension_numbers<[1], [1], [0], [0], [0, 0, 1, 0], [], []>, transpose_lhs_hint = false} : vector<32x32xf32>, vector<1024x32xf32>, vector<32x1024xf32> -> vector<32x1024xf32>
    %slice3A_369 = vector.extract_strided_slice %dot_general3A_351 {offsets = [0, 1024], sizes = [32, 1024], strides = [1, 1]} : vector<32x4096xf32> to vector<32x1024xf32>
    %add3A_370 = arith.addf %slice3A_369, %dot_general3A_368 : vector<32x1024xf32>
    %swap3A_371 = arith.constant 6 : index
    %swap3A_372 = arith.constant 0 : index
    %swap3A_373 = arith.constant 1024 : index
    %swap3A_374 = vector.load %arg4[%swap3A_371, %swap3A_372, %swap3A_373] : memref<10x32x4096xf32, #tpu.memory_space<vmem>>, vector<1x32x1024xf32>
    %swap3A_375 = vector.shape_cast %swap3A_374 : vector<1x32x1024xf32> to vector<32x1024xf32>
    %swap3A_376 = vector.shape_cast %add3A_370 : vector<32x1024xf32> to vector<1x32x1024xf32>
    tpu.vector_store %arg4[%swap3A_371, %swap3A_372, %swap3A_373], %swap3A_376 {strides = array<i32>} : memref<10x32x4096xf32, #tpu.memory_space<vmem>>, vector<1x32x1024xf32>,
    %slice3A_377 = vector.extract_strided_slice %get3A_354 {offsets = [0, 64], sizes = [1024, 32], strides = [1, 1]} : vector<1024x128xf32> to vector<1024x32xf32>
    %dot_general3A_378 = arith.constant dense<0.000000e+00> : vector<32x1024xf32>
    %dot_general3A_379 = tpu.matmul %convert_element_type3A_3, %slice3A_377, %dot_general3A_378 {dimension_numbers = #tpu.dot_dimension_numbers<[1], [1], [0], [0], [0, 0, 1, 0], [], []>, transpose_lhs_hint = false} : vector<32x32xf32>, vector<1024x32xf32>, vector<32x1024xf32> -> vector<32x1024xf32>
    %slice3A_380 = vector.extract_strided_slice %dot_general3A_351 {offsets = [0, 2048], sizes = [32, 1024], strides = [1, 1]} : vector<32x4096xf32> to vector<32x1024xf32>
    %add3A_381 = arith.addf %slice3A_380, %dot_general3A_379 : vector<32x1024xf32>
    %swap3A_382 = arith.constant 6 : index
    %swap3A_383 = arith.constant 0 : index
    %swap3A_384 = arith.constant 2048 : index
    %swap3A_385 = vector.load %arg4[%swap3A_382, %swap3A_383, %swap3A_384] : memref<10x32x4096xf32, #tpu.memory_space<vmem>>, vector<1x32x1024xf32>
    %swap3A_386 = vector.shape_cast %swap3A_385 : vector<1x32x1024xf32> to vector<32x1024xf32>
    %swap3A_387 = vector.shape_cast %add3A_381 : vector<32x1024xf32> to vector<1x32x1024xf32>
    tpu.vector_store %arg4[%swap3A_382, %swap3A_383, %swap3A_384], %swap3A_387 {strides = array<i32>} : memref<10x32x4096xf32, #tpu.memory_space<vmem>>, vector<1x32x1024xf32>,
    %slice3A_388 = vector.extract_strided_slice %get3A_354 {offsets = [0, 96], sizes = [1024, 32], strides = [1, 1]} : vector<1024x128xf32> to vector<1024x32xf32>
    %dot_general3A_389 = arith.constant dense<0.000000e+00> : vector<32x1024xf32>
    %dot_general3A_390 = tpu.matmul %convert_element_type3A_3, %slice3A_388, %dot_general3A_389 {dimension_numbers = #tpu.dot_dimension_numbers<[1], [1], [0], [0], [0, 0, 1, 0], [], []>, transpose_lhs_hint = false} : vector<32x32xf32>, vector<1024x32xf32>, vector<32x1024xf32> -> vector<32x1024xf32>
    %slice3A_391 = vector.extract_strided_slice %dot_general3A_351 {offsets = [0, 3072], sizes = [32, 1024], strides = [1, 1]} : vector<32x4096xf32> to vector<32x1024xf32>
    %add3A_392 = arith.addf %slice3A_391, %dot_general3A_390 : vector<32x1024xf32>
    %swap3A_393 = arith.constant 6 : index
    %swap3A_394 = arith.constant 0 : index
    %swap3A_395 = arith.constant 3072 : index
    %swap3A_396 = vector.load %arg4[%swap3A_393, %swap3A_394, %swap3A_395] : memref<10x32x4096xf32, #tpu.memory_space<vmem>>, vector<1x32x1024xf32>
    %swap3A_397 = vector.shape_cast %swap3A_396 : vector<1x32x1024xf32> to vector<32x1024xf32>
    %swap3A_398 = vector.shape_cast %add3A_392 : vector<32x1024xf32> to vector<1x32x1024xf32>
    tpu.vector_store %arg4[%swap3A_393, %swap3A_394, %swap3A_395], %swap3A_398 {strides = array<i32>} : memref<10x32x4096xf32, #tpu.memory_space<vmem>>, vector<1x32x1024xf32>,
    %get3A_399 = arith.constant 7 : index
    %get3A_400 = arith.constant 0 : index
    %get3A_401 = arith.constant 0 : index
    %get3A_402 = vector.load %arg1[%get3A_399, %get3A_400, %get3A_401] : memref<10x64x4096xf32, #tpu.memory_space<vmem>>, vector<1x64x4096xf32>
    %get3A_403 = vector.shape_cast %get3A_402 : vector<1x64x4096xf32> to vector<64x4096xf32>
    %get3A_404 = arith.constant 0 : index
    %get3A_405 = arith.constant 0 : index
    %get3A_406 = vector.load %arg3[%get3A_404, %get3A_405] : memref<64x32xf32, #tpu.memory_space<vmem>>, vector<64x32xf32>
    %dot_general3A_407 = arith.constant dense<0.000000e+00> : vector<32x4096xf32>
    %dot_general3A_408 = tpu.matmul %get3A_406, %get3A_403, %dot_general3A_407 {dimension_numbers = #tpu.dot_dimension_numbers<[0], [0], [1], [1], [0, 1, 1, 1], [], []>, transpose_lhs_hint = true} : vector<64x32xf32>, vector<64x4096xf32>, vector<32x4096xf32> -> vector<32x4096xf32>
    %get3A_409 = arith.constant 7168 : index
    %get3A_410 = arith.constant 0 : index
    %get3A_411 = vector.load %arg2[%get3A_409, %get3A_410] : memref<10240x128xf32, #tpu.memory_space<vmem>>, vector<1024x128xf32>
    %slice3A_412 = vector.extract_strided_slice %get3A_411 {offsets = [0, 0], sizes = [1024, 32], strides = [1, 1]} : vector<1024x128xf32> to vector<1024x32xf32>
    %dot_general3A_413 = arith.constant dense<0.000000e+00> : vector<32x1024xf32>
    %dot_general3A_414 = tpu.matmul %convert_element_type3A_3, %slice3A_412, %dot_general3A_413 {dimension_numbers = #tpu.dot_dimension_numbers<[1], [1], [0], [0], [0, 0, 1, 0], [], []>, transpose_lhs_hint = false} : vector<32x32xf32>, vector<1024x32xf32>, vector<32x1024xf32> -> vector<32x1024xf32>
    %slice3A_415 = vector.extract_strided_slice %dot_general3A_408 {offsets = [0, 0], sizes = [32, 1024], strides = [1, 1]} : vector<32x4096xf32> to vector<32x1024xf32>
    %add3A_416 = arith.addf %slice3A_415, %dot_general3A_414 : vector<32x1024xf32>
    %swap3A_417 = arith.constant 7 : index
    %swap3A_418 = arith.constant 0 : index
    %swap3A_419 = arith.constant 0 : index
    %swap3A_420 = vector.load %arg4[%swap3A_417, %swap3A_418, %swap3A_419] : memref<10x32x4096xf32, #tpu.memory_space<vmem>>, vector<1x32x1024xf32>
    %swap3A_421 = vector.shape_cast %swap3A_420 : vector<1x32x1024xf32> to vector<32x1024xf32>
    %swap3A_422 = vector.shape_cast %add3A_416 : vector<32x1024xf32> to vector<1x32x1024xf32>
    tpu.vector_store %arg4[%swap3A_417, %swap3A_418, %swap3A_419], %swap3A_422 {strides = array<i32>} : memref<10x32x4096xf32, #tpu.memory_space<vmem>>, vector<1x32x1024xf32>,
    %slice3A_423 = vector.extract_strided_slice %get3A_411 {offsets = [0, 32], sizes = [1024, 32], strides = [1, 1]} : vector<1024x128xf32> to vector<1024x32xf32>
    %dot_general3A_424 = arith.constant dense<0.000000e+00> : vector<32x1024xf32>
    %dot_general3A_425 = tpu.matmul %convert_element_type3A_3, %slice3A_423, %dot_general3A_424 {dimension_numbers = #tpu.dot_dimension_numbers<[1], [1], [0], [0], [0, 0, 1, 0], [], []>, transpose_lhs_hint = false} : vector<32x32xf32>, vector<1024x32xf32>, vector<32x1024xf32> -> vector<32x1024xf32>
    %slice3A_426 = vector.extract_strided_slice %dot_general3A_408 {offsets = [0, 1024], sizes = [32, 1024], strides = [1, 1]} : vector<32x4096xf32> to vector<32x1024xf32>
    %add3A_427 = arith.addf %slice3A_426, %dot_general3A_425 : vector<32x1024xf32>
    %swap3A_428 = arith.constant 7 : index
    %swap3A_429 = arith.constant 0 : index
    %swap3A_430 = arith.constant 1024 : index
    %swap3A_431 = vector.load %arg4[%swap3A_428, %swap3A_429, %swap3A_430] : memref<10x32x4096xf32, #tpu.memory_space<vmem>>, vector<1x32x1024xf32>
    %swap3A_432 = vector.shape_cast %swap3A_431 : vector<1x32x1024xf32> to vector<32x1024xf32>
    %swap3A_433 = vector.shape_cast %add3A_427 : vector<32x1024xf32> to vector<1x32x1024xf32>
    tpu.vector_store %arg4[%swap3A_428, %swap3A_429, %swap3A_430], %swap3A_433 {strides = array<i32>} : memref<10x32x4096xf32, #tpu.memory_space<vmem>>, vector<1x32x1024xf32>,
    %slice3A_434 = vector.extract_strided_slice %get3A_411 {offsets = [0, 64], sizes = [1024, 32], strides = [1, 1]} : vector<1024x128xf32> to vector<1024x32xf32>
    %dot_general3A_435 = arith.constant dense<0.000000e+00> : vector<32x1024xf32>
    %dot_general3A_436 = tpu.matmul %convert_element_type3A_3, %slice3A_434, %dot_general3A_435 {dimension_numbers = #tpu.dot_dimension_numbers<[1], [1], [0], [0], [0, 0, 1, 0], [], []>, transpose_lhs_hint = false} : vector<32x32xf32>, vector<1024x32xf32>, vector<32x1024xf32> -> vector<32x1024xf32>
    %slice3A_437 = vector.extract_strided_slice %dot_general3A_408 {offsets = [0, 2048], sizes = [32, 1024], strides = [1, 1]} : vector<32x4096xf32> to vector<32x1024xf32>
    %add3A_438 = arith.addf %slice3A_437, %dot_general3A_436 : vector<32x1024xf32>
    %swap3A_439 = arith.constant 7 : index
    %swap3A_440 = arith.constant 0 : index
    %swap3A_441 = arith.constant 2048 : index
    %swap3A_442 = vector.load %arg4[%swap3A_439, %swap3A_440, %swap3A_441] : memref<10x32x4096xf32, #tpu.memory_space<vmem>>, vector<1x32x1024xf32>
    %swap3A_443 = vector.shape_cast %swap3A_442 : vector<1x32x1024xf32> to vector<32x1024xf32>
    %swap3A_444 = vector.shape_cast %add3A_438 : vector<32x1024xf32> to vector<1x32x1024xf32>
    tpu.vector_store %arg4[%swap3A_439, %swap3A_440, %swap3A_441], %swap3A_444 {strides = array<i32>} : memref<10x32x4096xf32, #tpu.memory_space<vmem>>, vector<1x32x1024xf32>,
    %slice3A_445 = vector.extract_strided_slice %get3A_411 {offsets = [0, 96], sizes = [1024, 32], strides = [1, 1]} : vector<1024x128xf32> to vector<1024x32xf32>
    %dot_general3A_446 = arith.constant dense<0.000000e+00> : vector<32x1024xf32>
    %dot_general3A_447 = tpu.matmul %convert_element_type3A_3, %slice3A_445, %dot_general3A_446 {dimension_numbers = #tpu.dot_dimension_numbers<[1], [1], [0], [0], [0, 0, 1, 0], [], []>, transpose_lhs_hint = false} : vector<32x32xf32>, vector<1024x32xf32>, vector<32x1024xf32> -> vector<32x1024xf32>
    %slice3A_448 = vector.extract_strided_slice %dot_general3A_408 {offsets = [0, 3072], sizes = [32, 1024], strides = [1, 1]} : vector<32x4096xf32> to vector<32x1024xf32>
    %add3A_449 = arith.addf %slice3A_448, %dot_general3A_447 : vector<32x1024xf32>
    %swap3A_450 = arith.constant 7 : index
    %swap3A_451 = arith.constant 0 : index
    %swap3A_452 = arith.constant 3072 : index
    %swap3A_453 = vector.load %arg4[%swap3A_450, %swap3A_451, %swap3A_452] : memref<10x32x4096xf32, #tpu.memory_space<vmem>>, vector<1x32x1024xf32>
    %swap3A_454 = vector.shape_cast %swap3A_453 : vector<1x32x1024xf32> to vector<32x1024xf32>
    %swap3A_455 = vector.shape_cast %add3A_449 : vector<32x1024xf32> to vector<1x32x1024xf32>
    tpu.vector_store %arg4[%swap3A_450, %swap3A_451, %swap3A_452], %swap3A_455 {strides = array<i32>} : memref<10x32x4096xf32, #tpu.memory_space<vmem>>, vector<1x32x1024xf32>,
    %get3A_456 = arith.constant 8 : index
    %get3A_457 = arith.constant 0 : index
    %get3A_458 = arith.constant 0 : index
    %get3A_459 = vector.load %arg1[%get3A_456, %get3A_457, %get3A_458] : memref<10x64x4096xf32, #tpu.memory_space<vmem>>, vector<1x64x4096xf32>
    %get3A_460 = vector.shape_cast %get3A_459 : vector<1x64x4096xf32> to vector<64x4096xf32>
    %get3A_461 = arith.constant 0 : index
    %get3A_462 = arith.constant 0 : index
    %get3A_463 = vector.load %arg3[%get3A_461, %get3A_462] : memref<64x32xf32, #tpu.memory_space<vmem>>, vector<64x32xf32>
    %dot_general3A_464 = arith.constant dense<0.000000e+00> : vector<32x4096xf32>
    %dot_general3A_465 = tpu.matmul %get3A_463, %get3A_460, %dot_general3A_464 {dimension_numbers = #tpu.dot_dimension_numbers<[0], [0], [1], [1], [0, 1, 1, 1], [], []>, transpose_lhs_hint = true} : vector<64x32xf32>, vector<64x4096xf32>, vector<32x4096xf32> -> vector<32x4096xf32>
    %get3A_466 = arith.constant 8192 : index
    %get3A_467 = arith.constant 0 : index
    %get3A_468 = vector.load %arg2[%get3A_466, %get3A_467] : memref<10240x128xf32, #tpu.memory_space<vmem>>, vector<1024x128xf32>
    %slice3A_469 = vector.extract_strided_slice %get3A_468 {offsets = [0, 0], sizes = [1024, 32], strides = [1, 1]} : vector<1024x128xf32> to vector<1024x32xf32>
    %dot_general3A_470 = arith.constant dense<0.000000e+00> : vector<32x1024xf32>
    %dot_general3A_471 = tpu.matmul %convert_element_type3A_3, %slice3A_469, %dot_general3A_470 {dimension_numbers = #tpu.dot_dimension_numbers<[1], [1], [0], [0], [0, 0, 1, 0], [], []>, transpose_lhs_hint = false} : vector<32x32xf32>, vector<1024x32xf32>, vector<32x1024xf32> -> vector<32x1024xf32>
    %slice3A_472 = vector.extract_strided_slice %dot_general3A_465 {offsets = [0, 0], sizes = [32, 1024], strides = [1, 1]} : vector<32x4096xf32> to vector<32x1024xf32>
    %add3A_473 = arith.addf %slice3A_472, %dot_general3A_471 : vector<32x1024xf32>
    %swap3A_474 = arith.constant 8 : index
    %swap3A_475 = arith.constant 0 : index
    %swap3A_476 = arith.constant 0 : index
    %swap3A_477 = vector.load %arg4[%swap3A_474, %swap3A_475, %swap3A_476] : memref<10x32x4096xf32, #tpu.memory_space<vmem>>, vector<1x32x1024xf32>
    %swap3A_478 = vector.shape_cast %swap3A_477 : vector<1x32x1024xf32> to vector<32x1024xf32>
    %swap3A_479 = vector.shape_cast %add3A_473 : vector<32x1024xf32> to vector<1x32x1024xf32>
    tpu.vector_store %arg4[%swap3A_474, %swap3A_475, %swap3A_476], %swap3A_479 {strides = array<i32>} : memref<10x32x4096xf32, #tpu.memory_space<vmem>>, vector<1x32x1024xf32>,
    %slice3A_480 = vector.extract_strided_slice %get3A_468 {offsets = [0, 32], sizes = [1024, 32], strides = [1, 1]} : vector<1024x128xf32> to vector<1024x32xf32>
    %dot_general3A_481 = arith.constant dense<0.000000e+00> : vector<32x1024xf32>
    %dot_general3A_482 = tpu.matmul %convert_element_type3A_3, %slice3A_480, %dot_general3A_481 {dimension_numbers = #tpu.dot_dimension_numbers<[1], [1], [0], [0], [0, 0, 1, 0], [], []>, transpose_lhs_hint = false} : vector<32x32xf32>, vector<1024x32xf32>, vector<32x1024xf32> -> vector<32x1024xf32>
    %slice3A_483 = vector.extract_strided_slice %dot_general3A_465 {offsets = [0, 1024], sizes = [32, 1024], strides = [1, 1]} : vector<32x4096xf32> to vector<32x1024xf32>
    %add3A_484 = arith.addf %slice3A_483, %dot_general3A_482 : vector<32x1024xf32>
    %swap3A_485 = arith.constant 8 : index
    %swap3A_486 = arith.constant 0 : index
    %swap3A_487 = arith.constant 1024 : index
    %swap3A_488 = vector.load %arg4[%swap3A_485, %swap3A_486, %swap3A_487] : memref<10x32x4096xf32, #tpu.memory_space<vmem>>, vector<1x32x1024xf32>
    %swap3A_489 = vector.shape_cast %swap3A_488 : vector<1x32x1024xf32> to vector<32x1024xf32>
    %swap3A_490 = vector.shape_cast %add3A_484 : vector<32x1024xf32> to vector<1x32x1024xf32>
    tpu.vector_store %arg4[%swap3A_485, %swap3A_486, %swap3A_487], %swap3A_490 {strides = array<i32>} : memref<10x32x4096xf32, #tpu.memory_space<vmem>>, vector<1x32x1024xf32>,
    %slice3A_491 = vector.extract_strided_slice %get3A_468 {offsets = [0, 64], sizes = [1024, 32], strides = [1, 1]} : vector<1024x128xf32> to vector<1024x32xf32>
    %dot_general3A_492 = arith.constant dense<0.000000e+00> : vector<32x1024xf32>
    %dot_general3A_493 = tpu.matmul %convert_element_type3A_3, %slice3A_491, %dot_general3A_492 {dimension_numbers = #tpu.dot_dimension_numbers<[1], [1], [0], [0], [0, 0, 1, 0], [], []>, transpose_lhs_hint = false} : vector<32x32xf32>, vector<1024x32xf32>, vector<32x1024xf32> -> vector<32x1024xf32>
    %slice3A_494 = vector.extract_strided_slice %dot_general3A_465 {offsets = [0, 2048], sizes = [32, 1024], strides = [1, 1]} : vector<32x4096xf32> to vector<32x1024xf32>
    %add3A_495 = arith.addf %slice3A_494, %dot_general3A_493 : vector<32x1024xf32>
    %swap3A_496 = arith.constant 8 : index
    %swap3A_497 = arith.constant 0 : index
    %swap3A_498 = arith.constant 2048 : index
    %swap3A_499 = vector.load %arg4[%swap3A_496, %swap3A_497, %swap3A_498] : memref<10x32x4096xf32, #tpu.memory_space<vmem>>, vector<1x32x1024xf32>
    %swap3A_500 = vector.shape_cast %swap3A_499 : vector<1x32x1024xf32> to vector<32x1024xf32>
    %swap3A_501 = vector.shape_cast %add3A_495 : vector<32x1024xf32> to vector<1x32x1024xf32>
    tpu.vector_store %arg4[%swap3A_496, %swap3A_497, %swap3A_498], %swap3A_501 {strides = array<i32>} : memref<10x32x4096xf32, #tpu.memory_space<vmem>>, vector<1x32x1024xf32>,
    %slice3A_502 = vector.extract_strided_slice %get3A_468 {offsets = [0, 96], sizes = [1024, 32], strides = [1, 1]} : vector<1024x128xf32> to vector<1024x32xf32>
    %dot_general3A_503 = arith.constant dense<0.000000e+00> : vector<32x1024xf32>
    %dot_general3A_504 = tpu.matmul %convert_element_type3A_3, %slice3A_502, %dot_general3A_503 {dimension_numbers = #tpu.dot_dimension_numbers<[1], [1], [0], [0], [0, 0, 1, 0], [], []>, transpose_lhs_hint = false} : vector<32x32xf32>, vector<1024x32xf32>, vector<32x1024xf32> -> vector<32x1024xf32>
    %slice3A_505 = vector.extract_strided_slice %dot_general3A_465 {offsets = [0, 3072], sizes = [32, 1024], strides = [1, 1]} : vector<32x4096xf32> to vector<32x1024xf32>
    %add3A_506 = arith.addf %slice3A_505, %dot_general3A_504 : vector<32x1024xf32>
    %swap3A_507 = arith.constant 8 : index
    %swap3A_508 = arith.constant 0 : index
    %swap3A_509 = arith.constant 3072 : index
    %swap3A_510 = vector.load %arg4[%swap3A_507, %swap3A_508, %swap3A_509] : memref<10x32x4096xf32, #tpu.memory_space<vmem>>, vector<1x32x1024xf32>
    %swap3A_511 = vector.shape_cast %swap3A_510 : vector<1x32x1024xf32> to vector<32x1024xf32>
    %swap3A_512 = vector.shape_cast %add3A_506 : vector<32x1024xf32> to vector<1x32x1024xf32>
    tpu.vector_store %arg4[%swap3A_507, %swap3A_508, %swap3A_509], %swap3A_512 {strides = array<i32>} : memref<10x32x4096xf32, #tpu.memory_space<vmem>>, vector<1x32x1024xf32>,
    %get3A_513 = arith.constant 9 : index
    %get3A_514 = arith.constant 0 : index
    %get3A_515 = arith.constant 0 : index
    %get3A_516 = vector.load %arg1[%get3A_513, %get3A_514, %get3A_515] : memref<10x64x4096xf32, #tpu.memory_space<vmem>>, vector<1x64x4096xf32>
    %get3A_517 = vector.shape_cast %get3A_516 : vector<1x64x4096xf32> to vector<64x4096xf32>
    %get3A_518 = arith.constant 0 : index
    %get3A_519 = arith.constant 0 : index
    %get3A_520 = vector.load %arg3[%get3A_518, %get3A_519] : memref<64x32xf32, #tpu.memory_space<vmem>>, vector<64x32xf32>
    %dot_general3A_521 = arith.constant dense<0.000000e+00> : vector<32x4096xf32>
    %dot_general3A_522 = tpu.matmul %get3A_520, %get3A_517, %dot_general3A_521 {dimension_numbers = #tpu.dot_dimension_numbers<[0], [0], [1], [1], [0, 1, 1, 1], [], []>, transpose_lhs_hint = true} : vector<64x32xf32>, vector<64x4096xf32>, vector<32x4096xf32> -> vector<32x4096xf32>
    %get3A_523 = arith.constant 9216 : index
    %get3A_524 = arith.constant 0 : index
    %get3A_525 = vector.load %arg2[%get3A_523, %get3A_524] : memref<10240x128xf32, #tpu.memory_space<vmem>>, vector<1024x128xf32>
    %slice3A_526 = vector.extract_strided_slice %get3A_525 {offsets = [0, 0], sizes = [1024, 32], strides = [1, 1]} : vector<1024x128xf32> to vector<1024x32xf32>
    %dot_general3A_527 = arith.constant dense<0.000000e+00> : vector<32x1024xf32>
    %dot_general3A_528 = tpu.matmul %convert_element_type3A_3, %slice3A_526, %dot_general3A_527 {dimension_numbers = #tpu.dot_dimension_numbers<[1], [1], [0], [0], [0, 0, 1, 0], [], []>, transpose_lhs_hint = false} : vector<32x32xf32>, vector<1024x32xf32>, vector<32x1024xf32> -> vector<32x1024xf32>
    %slice3A_529 = vector.extract_strided_slice %dot_general3A_522 {offsets = [0, 0], sizes = [32, 1024], strides = [1, 1]} : vector<32x4096xf32> to vector<32x1024xf32>
    %add3A_530 = arith.addf %slice3A_529, %dot_general3A_528 : vector<32x1024xf32>
    %swap3A_531 = arith.constant 9 : index
    %swap3A_532 = arith.constant 0 : index
    %swap3A_533 = arith.constant 0 : index
    %swap3A_534 = vector.load %arg4[%swap3A_531, %swap3A_532, %swap3A_533] : memref<10x32x4096xf32, #tpu.memory_space<vmem>>, vector<1x32x1024xf32>
    %swap3A_535 = vector.shape_cast %swap3A_534 : vector<1x32x1024xf32> to vector<32x1024xf32>
    %swap3A_536 = vector.shape_cast %add3A_530 : vector<32x1024xf32> to vector<1x32x1024xf32>
    tpu.vector_store %arg4[%swap3A_531, %swap3A_532, %swap3A_533], %swap3A_536 {strides = array<i32>} : memref<10x32x4096xf32, #tpu.memory_space<vmem>>, vector<1x32x1024xf32>,
    %slice3A_537 = vector.extract_strided_slice %get3A_525 {offsets = [0, 32], sizes = [1024, 32], strides = [1, 1]} : vector<1024x128xf32> to vector<1024x32xf32>
    %dot_general3A_538 = arith.constant dense<0.000000e+00> : vector<32x1024xf32>
    %dot_general3A_539 = tpu.matmul %convert_element_type3A_3, %slice3A_537, %dot_general3A_538 {dimension_numbers = #tpu.dot_dimension_numbers<[1], [1], [0], [0], [0, 0, 1, 0], [], []>, transpose_lhs_hint = false} : vector<32x32xf32>, vector<1024x32xf32>, vector<32x1024xf32> -> vector<32x1024xf32>
    %slice3A_540 = vector.extract_strided_slice %dot_general3A_522 {offsets = [0, 1024], sizes = [32, 1024], strides = [1, 1]} : vector<32x4096xf32> to vector<32x1024xf32>
    %add3A_541 = arith.addf %slice3A_540, %dot_general3A_539 : vector<32x1024xf32>
    %swap3A_542 = arith.constant 9 : index
    %swap3A_543 = arith.constant 0 : index
    %swap3A_544 = arith.constant 1024 : index
    %swap3A_545 = vector.load %arg4[%swap3A_542, %swap3A_543, %swap3A_544] : memref<10x32x4096xf32, #tpu.memory_space<vmem>>, vector<1x32x1024xf32>
    %swap3A_546 = vector.shape_cast %swap3A_545 : vector<1x32x1024xf32> to vector<32x1024xf32>
    %swap3A_547 = vector.shape_cast %add3A_541 : vector<32x1024xf32> to vector<1x32x1024xf32>
    tpu.vector_store %arg4[%swap3A_542, %swap3A_543, %swap3A_544], %swap3A_547 {strides = array<i32>} : memref<10x32x4096xf32, #tpu.memory_space<vmem>>, vector<1x32x1024xf32>,
    %slice3A_548 = vector.extract_strided_slice %get3A_525 {offsets = [0, 64], sizes = [1024, 32], strides = [1, 1]} : vector<1024x128xf32> to vector<1024x32xf32>
    %dot_general3A_549 = arith.constant dense<0.000000e+00> : vector<32x1024xf32>
    %dot_general3A_550 = tpu.matmul %convert_element_type3A_3, %slice3A_548, %dot_general3A_549 {dimension_numbers = #tpu.dot_dimension_numbers<[1], [1], [0], [0], [0, 0, 1, 0], [], []>, transpose_lhs_hint = false} : vector<32x32xf32>, vector<1024x32xf32>, vector<32x1024xf32> -> vector<32x1024xf32>
    %slice3A_551 = vector.extract_strided_slice %dot_general3A_522 {offsets = [0, 2048], sizes = [32, 1024], strides = [1, 1]} : vector<32x4096xf32> to vector<32x1024xf32>
    %add3A_552 = arith.addf %slice3A_551, %dot_general3A_550 : vector<32x1024xf32>
    %swap3A_553 = arith.constant 9 : index
    %swap3A_554 = arith.constant 0 : index
    %swap3A_555 = arith.constant 2048 : index
    %swap3A_556 = vector.load %arg4[%swap3A_553, %swap3A_554, %swap3A_555] : memref<10x32x4096xf32, #tpu.memory_space<vmem>>, vector<1x32x1024xf32>
    %swap3A_557 = vector.shape_cast %swap3A_556 : vector<1x32x1024xf32> to vector<32x1024xf32>
    %swap3A_558 = vector.shape_cast %add3A_552 : vector<32x1024xf32> to vector<1x32x1024xf32>
    tpu.vector_store %arg4[%swap3A_553, %swap3A_554, %swap3A_555], %swap3A_558 {strides = array<i32>} : memref<10x32x4096xf32, #tpu.memory_space<vmem>>, vector<1x32x1024xf32>,
    %slice3A_559 = vector.extract_strided_slice %get3A_525 {offsets = [0, 96], sizes = [1024, 32], strides = [1, 1]} : vector<1024x128xf32> to vector<1024x32xf32>
    %dot_general3A_560 = arith.constant dense<0.000000e+00> : vector<32x1024xf32>
    %dot_general3A_561 = tpu.matmul %convert_element_type3A_3, %slice3A_559, %dot_general3A_560 {dimension_numbers = #tpu.dot_dimension_numbers<[1], [1], [0], [0], [0, 0, 1, 0], [], []>, transpose_lhs_hint = false} : vector<32x32xf32>, vector<1024x32xf32>, vector<32x1024xf32> -> vector<32x1024xf32>
    %slice3A_562 = vector.extract_strided_slice %dot_general3A_522 {offsets = [0, 3072], sizes = [32, 1024], strides = [1, 1]} : vector<32x4096xf32> to vector<32x1024xf32>
    %add3A_563 = arith.addf %slice3A_562, %dot_general3A_561 : vector<32x1024xf32>
    %swap3A_564 = arith.constant 9 : index
    %swap3A_565 = arith.constant 0 : index
    %swap3A_566 = arith.constant 3072 : index
    %swap3A_567 = vector.load %arg4[%swap3A_564, %swap3A_565, %swap3A_566] : memref<10x32x4096xf32, #tpu.memory_space<vmem>>, vector<1x32x1024xf32>
    %swap3A_568 = vector.shape_cast %swap3A_567 : vector<1x32x1024xf32> to vector<32x1024xf32>
    %swap3A_569 = vector.shape_cast %add3A_563 : vector<32x1024xf32> to vector<1x32x1024xf32>
    tpu.vector_store %arg4[%swap3A_564, %swap3A_565, %swap3A_566], %swap3A_569 {strides = array<i32>} : memref<10x32x4096xf32, #tpu.memory_space<vmem>>, vector<1x32x1024xf32>,
    return
  }
  func.func @transform_0(%arg0: i32) -> (i32, i32, i32) {
    %add3A = arith.constant 0 : i32
    %add3A_0 = arith.addi %arg0, %add3A : i32
    %c0_i32 = arith.constant 0 : i32
    %c0_i32_1 = arith.constant 0 : i32
    %c0_i32_2 = arith.constant 0 : i32
    return %add3A_0, %c0_i32, %c0_i32_1 : i32, i32, i32
  }
  func.func @transform_1(%arg0: i32) -> (i32, i32) {
    %c0_i32 = arith.constant 0 : i32
    %c0_i32_0 = arith.constant 0 : i32
    return %arg0, %c0_i32 : i32, i32
  }
  func.func @transform_2(%arg0: i32) -> (i32, i32) {
    %c0_i32 = arith.constant 0 : i32
    %c0_i32_0 = arith.constant 0 : i32
    %c0_i32_1 = arith.constant 0 : i32
    return %c0_i32, %c0_i32_0 : i32, i32
  }
  func.func @transform_3(%arg0: i32) -> (i32, i32, i32) {
    %add3A = arith.constant 0 : i32
    %add3A_0 = arith.addi %arg0, %add3A : i32
    %c0_i32 = arith.constant 0 : i32
    %c0_i32_1 = arith.constant 0 : i32
    %c0_i32_2 = arith.constant 0 : i32
    return %add3A_0, %c0_i32, %c0_i32_1 : i32, i32, i32
  }
}

module attributes {stable_mosaic.version = 14 : i64} {
  func.func @body(%arg0: i32, %arg1: memref<200x32x4096xf32, #tpu.memory_space<any>>, %arg2: memref<10x64x4096xf32, #tpu.memory_space<vmem>>, %arg3: memref<10240x128xf32, #tpu.memory_space<vmem>>, %arg4: memref<64x32xf32, #tpu.memory_space<vmem>>, %arg5: memref<10x32x4096xf32, #tpu.memory_space<vmem>>) attributes {dimension_semantics = [#tpu.dimension_semantics<arbitrary>], iteration_bounds = array<i64: 10>, scalar_prefetch = 0 : i64, scratch_operands = 0 : i64, tpu.core_type = #tpu.core_type<tc>, window_params = [{}, {transform_indices = @transform_1, window_bounds = array<i64: 10, 64, 4096>}, {transform_indices = @transform_2, window_bounds = array<i64: 10240, 128>}, {pipeline_mode = #tpu.pipeline_mode<synchronous>, transform_indices = @transform_3, window_bounds = array<i64: 64, 32>}, {transform_indices = @transform_4, window_bounds = array<i64: 10, 32, 4096>}]} {
    %iota3A = tpu.iota {dimensions = array<i32: 0>} : vector<32x32xi32>
    %iota3A_0 = tpu.iota {dimensions = array<i32: 1>} : vector<32x32xi32>
    %add3A = arith.constant 0 : i32
    %add3A_1 = vector.broadcast %add3A : i32 to vector<32x32xi32>
    %add3A_2 = arith.addi %iota3A, %add3A_1 : vector<32x32xi32>
    %eq3A = arith.cmpi eq, %add3A_2, %iota3A_0 : vector<32x32xi32>
    %convert_element_type3A = arith.extui %eq3A : vector<32x32xi1> to vector<32x32xi32>
    %convert_element_type3A_3 = arith.sitofp %convert_element_type3A : vector<32x32xi32> to vector<32x32xf32>
    %get3A = arith.constant 0 : index
    %get3A_4 = arith.constant 0 : index
    %get3A_5 = arith.constant 0 : index
    %get3A_6 = vector.load %arg2[%get3A, %get3A_4, %get3A_5] : memref<10x64x4096xf32, #tpu.memory_space<vmem>>, vector<1x64x4096xf32>
    %get3A_7 = vector.shape_cast %get3A_6 : vector<1x64x4096xf32> to vector<64x4096xf32>
    %get3A_8 = arith.constant 0 : index
    %get3A_9 = arith.constant 0 : index
    %get3A_10 = vector.load %arg4[%get3A_8, %get3A_9] : memref<64x32xf32, #tpu.memory_space<vmem>>, vector<64x32xf32>
    %dot_general3A = arith.constant dense<0.000000e+00> : vector<32x4096xf32>
    %dot_general3A_11 = tpu.matmul %get3A_10, %get3A_7, %dot_general3A {dimension_numbers = #tpu.dot_dimension_numbers<[0], [0], [1], [1], [0, 1, 1, 1], [], []>, transpose_lhs_hint = true} : vector<64x32xf32>, vector<64x4096xf32>, vector<32x4096xf32> -> vector<32x4096xf32>
    %get3A_12 = arith.constant 0 : index
    %get3A_13 = arith.constant 0 : index
    %get3A_14 = vector.load %arg3[%get3A_12, %get3A_13] : memref<10240x128xf32, #tpu.memory_space<vmem>>, vector<1024x128xf32>
    %slice3A = vector.extract_strided_slice %get3A_14 {offsets = [0, 0], sizes = [1024, 32], strides = [1, 1]} : vector<1024x128xf32> to vector<1024x32xf32>
    %dot_general3A_15 = arith.constant dense<0.000000e+00> : vector<32x1024xf32>
    %dot_general3A_16 = tpu.matmul %convert_element_type3A_3, %slice3A, %dot_general3A_15 {dimension_numbers = #tpu.dot_dimension_numbers<[1], [1], [0], [0], [0, 0, 1, 0], [], []>, transpose_lhs_hint = false} : vector<32x32xf32>, vector<1024x32xf32>, vector<32x1024xf32> -> vector<32x1024xf32>
    %slice3A_17 = vector.extract_strided_slice %dot_general3A_11 {offsets = [0, 0], sizes = [32, 1024], strides = [1, 1]} : vector<32x4096xf32> to vector<32x1024xf32>
    %add3A_18 = arith.addf %slice3A_17, %dot_general3A_16 : vector<32x1024xf32>
    %swap3A = arith.constant 0 : index
    %swap3A_19 = arith.constant 0 : index
    %swap3A_20 = arith.constant 0 : index
    %swap3A_21 = vector.load %arg5[%swap3A, %swap3A_19, %swap3A_20] : memref<10x32x4096xf32, #tpu.memory_space<vmem>>, vector<1x32x1024xf32>
    %swap3A_22 = vector.shape_cast %swap3A_21 : vector<1x32x1024xf32> to vector<32x1024xf32>
    %swap3A_23 = vector.shape_cast %add3A_18 : vector<32x1024xf32> to vector<1x32x1024xf32>
    tpu.vector_store %arg5[%swap3A, %swap3A_19, %swap3A_20], %swap3A_23 {strides = array<i32>} : memref<10x32x4096xf32, #tpu.memory_space<vmem>>, vector<1x32x1024xf32>,
    %slice3A_24 = vector.extract_strided_slice %get3A_14 {offsets = [0, 32], sizes = [1024, 32], strides = [1, 1]} : vector<1024x128xf32> to vector<1024x32xf32>
    %dot_general3A_25 = arith.constant dense<0.000000e+00> : vector<32x1024xf32>
    %dot_general3A_26 = tpu.matmul %convert_element_type3A_3, %slice3A_24, %dot_general3A_25 {dimension_numbers = #tpu.dot_dimension_numbers<[1], [1], [0], [0], [0, 0, 1, 0], [], []>, transpose_lhs_hint = false} : vector<32x32xf32>, vector<1024x32xf32>, vector<32x1024xf32> -> vector<32x1024xf32>
    %slice3A_27 = vector.extract_strided_slice %dot_general3A_11 {offsets = [0, 1024], sizes = [32, 1024], strides = [1, 1]} : vector<32x4096xf32> to vector<32x1024xf32>
    %add3A_28 = arith.addf %slice3A_27, %dot_general3A_26 : vector<32x1024xf32>
    %swap3A_29 = arith.constant 0 : index
    %swap3A_30 = arith.constant 0 : index
    %swap3A_31 = arith.constant 1024 : index
    %swap3A_32 = vector.load %arg5[%swap3A_29, %swap3A_30, %swap3A_31] : memref<10x32x4096xf32, #tpu.memory_space<vmem>>, vector<1x32x1024xf32>
    %swap3A_33 = vector.shape_cast %swap3A_32 : vector<1x32x1024xf32> to vector<32x1024xf32>
    %swap3A_34 = vector.shape_cast %add3A_28 : vector<32x1024xf32> to vector<1x32x1024xf32>
    tpu.vector_store %arg5[%swap3A_29, %swap3A_30, %swap3A_31], %swap3A_34 {strides = array<i32>} : memref<10x32x4096xf32, #tpu.memory_space<vmem>>, vector<1x32x1024xf32>,
    %slice3A_35 = vector.extract_strided_slice %get3A_14 {offsets = [0, 64], sizes = [1024, 32], strides = [1, 1]} : vector<1024x128xf32> to vector<1024x32xf32>
    %dot_general3A_36 = arith.constant dense<0.000000e+00> : vector<32x1024xf32>
    %dot_general3A_37 = tpu.matmul %convert_element_type3A_3, %slice3A_35, %dot_general3A_36 {dimension_numbers = #tpu.dot_dimension_numbers<[1], [1], [0], [0], [0, 0, 1, 0], [], []>, transpose_lhs_hint = false} : vector<32x32xf32>, vector<1024x32xf32>, vector<32x1024xf32> -> vector<32x1024xf32>
    %slice3A_38 = vector.extract_strided_slice %dot_general3A_11 {offsets = [0, 2048], sizes = [32, 1024], strides = [1, 1]} : vector<32x4096xf32> to vector<32x1024xf32>
    %add3A_39 = arith.addf %slice3A_38, %dot_general3A_37 : vector<32x1024xf32>
    %swap3A_40 = arith.constant 0 : index
    %swap3A_41 = arith.constant 0 : index
    %swap3A_42 = arith.constant 2048 : index
    %swap3A_43 = vector.load %arg5[%swap3A_40, %swap3A_41, %swap3A_42] : memref<10x32x4096xf32, #tpu.memory_space<vmem>>, vector<1x32x1024xf32>
    %swap3A_44 = vector.shape_cast %swap3A_43 : vector<1x32x1024xf32> to vector<32x1024xf32>
    %swap3A_45 = vector.shape_cast %add3A_39 : vector<32x1024xf32> to vector<1x32x1024xf32>
    tpu.vector_store %arg5[%swap3A_40, %swap3A_41, %swap3A_42], %swap3A_45 {strides = array<i32>} : memref<10x32x4096xf32, #tpu.memory_space<vmem>>, vector<1x32x1024xf32>,
    %slice3A_46 = vector.extract_strided_slice %get3A_14 {offsets = [0, 96], sizes = [1024, 32], strides = [1, 1]} : vector<1024x128xf32> to vector<1024x32xf32>
    %dot_general3A_47 = arith.constant dense<0.000000e+00> : vector<32x1024xf32>
    %dot_general3A_48 = tpu.matmul %convert_element_type3A_3, %slice3A_46, %dot_general3A_47 {dimension_numbers = #tpu.dot_dimension_numbers<[1], [1], [0], [0], [0, 0, 1, 0], [], []>, transpose_lhs_hint = false} : vector<32x32xf32>, vector<1024x32xf32>, vector<32x1024xf32> -> vector<32x1024xf32>
    %slice3A_49 = vector.extract_strided_slice %dot_general3A_11 {offsets = [0, 3072], sizes = [32, 1024], strides = [1, 1]} : vector<32x4096xf32> to vector<32x1024xf32>
    %add3A_50 = arith.addf %slice3A_49, %dot_general3A_48 : vector<32x1024xf32>
    %swap3A_51 = arith.constant 0 : index
    %swap3A_52 = arith.constant 0 : index
    %swap3A_53 = arith.constant 3072 : index
    %swap3A_54 = vector.load %arg5[%swap3A_51, %swap3A_52, %swap3A_53] : memref<10x32x4096xf32, #tpu.memory_space<vmem>>, vector<1x32x1024xf32>
    %swap3A_55 = vector.shape_cast %swap3A_54 : vector<1x32x1024xf32> to vector<32x1024xf32>
    %swap3A_56 = vector.shape_cast %add3A_50 : vector<32x1024xf32> to vector<1x32x1024xf32>
    tpu.vector_store %arg5[%swap3A_51, %swap3A_52, %swap3A_53], %swap3A_56 {strides = array<i32>} : memref<10x32x4096xf32, #tpu.memory_space<vmem>>, vector<1x32x1024xf32>,
    %get3A_57 = arith.constant 1 : index
    %get3A_58 = arith.constant 0 : index
    %get3A_59 = arith.constant 0 : index
    %get3A_60 = vector.load %arg2[%get3A_57, %get3A_58, %get3A_59] : memref<10x64x4096xf32, #tpu.memory_space<vmem>>, vector<1x64x4096xf32>
    %get3A_61 = vector.shape_cast %get3A_60 : vector<1x64x4096xf32> to vector<64x4096xf32>
    %get3A_62 = arith.constant 0 : index
    %get3A_63 = arith.constant 0 : index
    %get3A_64 = vector.load %arg4[%get3A_62, %get3A_63] : memref<64x32xf32, #tpu.memory_space<vmem>>, vector<64x32xf32>
    %dot_general3A_65 = arith.constant dense<0.000000e+00> : vector<32x4096xf32>
    %dot_general3A_66 = tpu.matmul %get3A_64, %get3A_61, %dot_general3A_65 {dimension_numbers = #tpu.dot_dimension_numbers<[0], [0], [1], [1], [0, 1, 1, 1], [], []>, transpose_lhs_hint = true} : vector<64x32xf32>, vector<64x4096xf32>, vector<32x4096xf32> -> vector<32x4096xf32>
    %get3A_67 = arith.constant 1024 : index
    %get3A_68 = arith.constant 0 : index
    %get3A_69 = vector.load %arg3[%get3A_67, %get3A_68] : memref<10240x128xf32, #tpu.memory_space<vmem>>, vector<1024x128xf32>
    %slice3A_70 = vector.extract_strided_slice %get3A_69 {offsets = [0, 0], sizes = [1024, 32], strides = [1, 1]} : vector<1024x128xf32> to vector<1024x32xf32>
    %dot_general3A_71 = arith.constant dense<0.000000e+00> : vector<32x1024xf32>
    %dot_general3A_72 = tpu.matmul %convert_element_type3A_3, %slice3A_70, %dot_general3A_71 {dimension_numbers = #tpu.dot_dimension_numbers<[1], [1], [0], [0], [0, 0, 1, 0], [], []>, transpose_lhs_hint = false} : vector<32x32xf32>, vector<1024x32xf32>, vector<32x1024xf32> -> vector<32x1024xf32>
    %slice3A_73 = vector.extract_strided_slice %dot_general3A_66 {offsets = [0, 0], sizes = [32, 1024], strides = [1, 1]} : vector<32x4096xf32> to vector<32x1024xf32>
    %add3A_74 = arith.addf %slice3A_73, %dot_general3A_72 : vector<32x1024xf32>
    %swap3A_75 = arith.constant 1 : index
    %swap3A_76 = arith.constant 0 : index
    %swap3A_77 = arith.constant 0 : index
    %swap3A_78 = vector.load %arg5[%swap3A_75, %swap3A_76, %swap3A_77] : memref<10x32x4096xf32, #tpu.memory_space<vmem>>, vector<1x32x1024xf32>
    %swap3A_79 = vector.shape_cast %swap3A_78 : vector<1x32x1024xf32> to vector<32x1024xf32>
    %swap3A_80 = vector.shape_cast %add3A_74 : vector<32x1024xf32> to vector<1x32x1024xf32>
    tpu.vector_store %arg5[%swap3A_75, %swap3A_76, %swap3A_77], %swap3A_80 {strides = array<i32>} : memref<10x32x4096xf32, #tpu.memory_space<vmem>>, vector<1x32x1024xf32>,
    %slice3A_81 = vector.extract_strided_slice %get3A_69 {offsets = [0, 32], sizes = [1024, 32], strides = [1, 1]} : vector<1024x128xf32> to vector<1024x32xf32>
    %dot_general3A_82 = arith.constant dense<0.000000e+00> : vector<32x1024xf32>
    %dot_general3A_83 = tpu.matmul %convert_element_type3A_3, %slice3A_81, %dot_general3A_82 {dimension_numbers = #tpu.dot_dimension_numbers<[1], [1], [0], [0], [0, 0, 1, 0], [], []>, transpose_lhs_hint = false} : vector<32x32xf32>, vector<1024x32xf32>, vector<32x1024xf32> -> vector<32x1024xf32>
    %slice3A_84 = vector.extract_strided_slice %dot_general3A_66 {offsets = [0, 1024], sizes = [32, 1024], strides = [1, 1]} : vector<32x4096xf32> to vector<32x1024xf32>
    %add3A_85 = arith.addf %slice3A_84, %dot_general3A_83 : vector<32x1024xf32>
    %swap3A_86 = arith.constant 1 : index
    %swap3A_87 = arith.constant 0 : index
    %swap3A_88 = arith.constant 1024 : index
    %swap3A_89 = vector.load %arg5[%swap3A_86, %swap3A_87, %swap3A_88] : memref<10x32x4096xf32, #tpu.memory_space<vmem>>, vector<1x32x1024xf32>
    %swap3A_90 = vector.shape_cast %swap3A_89 : vector<1x32x1024xf32> to vector<32x1024xf32>
    %swap3A_91 = vector.shape_cast %add3A_85 : vector<32x1024xf32> to vector<1x32x1024xf32>
    tpu.vector_store %arg5[%swap3A_86, %swap3A_87, %swap3A_88], %swap3A_91 {strides = array<i32>} : memref<10x32x4096xf32, #tpu.memory_space<vmem>>, vector<1x32x1024xf32>,
    %slice3A_92 = vector.extract_strided_slice %get3A_69 {offsets = [0, 64], sizes = [1024, 32], strides = [1, 1]} : vector<1024x128xf32> to vector<1024x32xf32>
    %dot_general3A_93 = arith.constant dense<0.000000e+00> : vector<32x1024xf32>
    %dot_general3A_94 = tpu.matmul %convert_element_type3A_3, %slice3A_92, %dot_general3A_93 {dimension_numbers = #tpu.dot_dimension_numbers<[1], [1], [0], [0], [0, 0, 1, 0], [], []>, transpose_lhs_hint = false} : vector<32x32xf32>, vector<1024x32xf32>, vector<32x1024xf32> -> vector<32x1024xf32>
    %slice3A_95 = vector.extract_strided_slice %dot_general3A_66 {offsets = [0, 2048], sizes = [32, 1024], strides = [1, 1]} : vector<32x4096xf32> to vector<32x1024xf32>
    %add3A_96 = arith.addf %slice3A_95, %dot_general3A_94 : vector<32x1024xf32>
    %swap3A_97 = arith.constant 1 : index
    %swap3A_98 = arith.constant 0 : index
    %swap3A_99 = arith.constant 2048 : index
    %swap3A_100 = vector.load %arg5[%swap3A_97, %swap3A_98, %swap3A_99] : memref<10x32x4096xf32, #tpu.memory_space<vmem>>, vector<1x32x1024xf32>
    %swap3A_101 = vector.shape_cast %swap3A_100 : vector<1x32x1024xf32> to vector<32x1024xf32>
    %swap3A_102 = vector.shape_cast %add3A_96 : vector<32x1024xf32> to vector<1x32x1024xf32>
    tpu.vector_store %arg5[%swap3A_97, %swap3A_98, %swap3A_99], %swap3A_102 {strides = array<i32>} : memref<10x32x4096xf32, #tpu.memory_space<vmem>>, vector<1x32x1024xf32>,
    %slice3A_103 = vector.extract_strided_slice %get3A_69 {offsets = [0, 96], sizes = [1024, 32], strides = [1, 1]} : vector<1024x128xf32> to vector<1024x32xf32>
    %dot_general3A_104 = arith.constant dense<0.000000e+00> : vector<32x1024xf32>
    %dot_general3A_105 = tpu.matmul %convert_element_type3A_3, %slice3A_103, %dot_general3A_104 {dimension_numbers = #tpu.dot_dimension_numbers<[1], [1], [0], [0], [0, 0, 1, 0], [], []>, transpose_lhs_hint = false} : vector<32x32xf32>, vector<1024x32xf32>, vector<32x1024xf32> -> vector<32x1024xf32>
    %slice3A_106 = vector.extract_strided_slice %dot_general3A_66 {offsets = [0, 3072], sizes = [32, 1024], strides = [1, 1]} : vector<32x4096xf32> to vector<32x1024xf32>
    %add3A_107 = arith.addf %slice3A_106, %dot_general3A_105 : vector<32x1024xf32>
    %swap3A_108 = arith.constant 1 : index
    %swap3A_109 = arith.constant 0 : index
    %swap3A_110 = arith.constant 3072 : index
    %swap3A_111 = vector.load %arg5[%swap3A_108, %swap3A_109, %swap3A_110] : memref<10x32x4096xf32, #tpu.memory_space<vmem>>, vector<1x32x1024xf32>
    %swap3A_112 = vector.shape_cast %swap3A_111 : vector<1x32x1024xf32> to vector<32x1024xf32>
    %swap3A_113 = vector.shape_cast %add3A_107 : vector<32x1024xf32> to vector<1x32x1024xf32>
    tpu.vector_store %arg5[%swap3A_108, %swap3A_109, %swap3A_110], %swap3A_113 {strides = array<i32>} : memref<10x32x4096xf32, #tpu.memory_space<vmem>>, vector<1x32x1024xf32>,
    %get3A_114 = arith.constant 2 : index
    %get3A_115 = arith.constant 0 : index
    %get3A_116 = arith.constant 0 : index
    %get3A_117 = vector.load %arg2[%get3A_114, %get3A_115, %get3A_116] : memref<10x64x4096xf32, #tpu.memory_space<vmem>>, vector<1x64x4096xf32>
    %get3A_118 = vector.shape_cast %get3A_117 : vector<1x64x4096xf32> to vector<64x4096xf32>
    %get3A_119 = arith.constant 0 : index
    %get3A_120 = arith.constant 0 : index
    %get3A_121 = vector.load %arg4[%get3A_119, %get3A_120] : memref<64x32xf32, #tpu.memory_space<vmem>>, vector<64x32xf32>
    %dot_general3A_122 = arith.constant dense<0.000000e+00> : vector<32x4096xf32>
    %dot_general3A_123 = tpu.matmul %get3A_121, %get3A_118, %dot_general3A_122 {dimension_numbers = #tpu.dot_dimension_numbers<[0], [0], [1], [1], [0, 1, 1, 1], [], []>, transpose_lhs_hint = true} : vector<64x32xf32>, vector<64x4096xf32>, vector<32x4096xf32> -> vector<32x4096xf32>
    %get3A_124 = arith.constant 2048 : index
    %get3A_125 = arith.constant 0 : index
    %get3A_126 = vector.load %arg3[%get3A_124, %get3A_125] : memref<10240x128xf32, #tpu.memory_space<vmem>>, vector<1024x128xf32>
    %slice3A_127 = vector.extract_strided_slice %get3A_126 {offsets = [0, 0], sizes = [1024, 32], strides = [1, 1]} : vector<1024x128xf32> to vector<1024x32xf32>
    %dot_general3A_128 = arith.constant dense<0.000000e+00> : vector<32x1024xf32>
    %dot_general3A_129 = tpu.matmul %convert_element_type3A_3, %slice3A_127, %dot_general3A_128 {dimension_numbers = #tpu.dot_dimension_numbers<[1], [1], [0], [0], [0, 0, 1, 0], [], []>, transpose_lhs_hint = false} : vector<32x32xf32>, vector<1024x32xf32>, vector<32x1024xf32> -> vector<32x1024xf32>
    %slice3A_130 = vector.extract_strided_slice %dot_general3A_123 {offsets = [0, 0], sizes = [32, 1024], strides = [1, 1]} : vector<32x4096xf32> to vector<32x1024xf32>
    %add3A_131 = arith.addf %slice3A_130, %dot_general3A_129 : vector<32x1024xf32>
    %swap3A_132 = arith.constant 2 : index
    %swap3A_133 = arith.constant 0 : index
    %swap3A_134 = arith.constant 0 : index
    %swap3A_135 = vector.load %arg5[%swap3A_132, %swap3A_133, %swap3A_134] : memref<10x32x4096xf32, #tpu.memory_space<vmem>>, vector<1x32x1024xf32>
    %swap3A_136 = vector.shape_cast %swap3A_135 : vector<1x32x1024xf32> to vector<32x1024xf32>
    %swap3A_137 = vector.shape_cast %add3A_131 : vector<32x1024xf32> to vector<1x32x1024xf32>
    tpu.vector_store %arg5[%swap3A_132, %swap3A_133, %swap3A_134], %swap3A_137 {strides = array<i32>} : memref<10x32x4096xf32, #tpu.memory_space<vmem>>, vector<1x32x1024xf32>,
    %slice3A_138 = vector.extract_strided_slice %get3A_126 {offsets = [0, 32], sizes = [1024, 32], strides = [1, 1]} : vector<1024x128xf32> to vector<1024x32xf32>
    %dot_general3A_139 = arith.constant dense<0.000000e+00> : vector<32x1024xf32>
    %dot_general3A_140 = tpu.matmul %convert_element_type3A_3, %slice3A_138, %dot_general3A_139 {dimension_numbers = #tpu.dot_dimension_numbers<[1], [1], [0], [0], [0, 0, 1, 0], [], []>, transpose_lhs_hint = false} : vector<32x32xf32>, vector<1024x32xf32>, vector<32x1024xf32> -> vector<32x1024xf32>
    %slice3A_141 = vector.extract_strided_slice %dot_general3A_123 {offsets = [0, 1024], sizes = [32, 1024], strides = [1, 1]} : vector<32x4096xf32> to vector<32x1024xf32>
    %add3A_142 = arith.addf %slice3A_141, %dot_general3A_140 : vector<32x1024xf32>
    %swap3A_143 = arith.constant 2 : index
    %swap3A_144 = arith.constant 0 : index
    %swap3A_145 = arith.constant 1024 : index
    %swap3A_146 = vector.load %arg5[%swap3A_143, %swap3A_144, %swap3A_145] : memref<10x32x4096xf32, #tpu.memory_space<vmem>>, vector<1x32x1024xf32>
    %swap3A_147 = vector.shape_cast %swap3A_146 : vector<1x32x1024xf32> to vector<32x1024xf32>
    %swap3A_148 = vector.shape_cast %add3A_142 : vector<32x1024xf32> to vector<1x32x1024xf32>
    tpu.vector_store %arg5[%swap3A_143, %swap3A_144, %swap3A_145], %swap3A_148 {strides = array<i32>} : memref<10x32x4096xf32, #tpu.memory_space<vmem>>, vector<1x32x1024xf32>,
    %slice3A_149 = vector.extract_strided_slice %get3A_126 {offsets = [0, 64], sizes = [1024, 32], strides = [1, 1]} : vector<1024x128xf32> to vector<1024x32xf32>
    %dot_general3A_150 = arith.constant dense<0.000000e+00> : vector<32x1024xf32>
    %dot_general3A_151 = tpu.matmul %convert_element_type3A_3, %slice3A_149, %dot_general3A_150 {dimension_numbers = #tpu.dot_dimension_numbers<[1], [1], [0], [0], [0, 0, 1, 0], [], []>, transpose_lhs_hint = false} : vector<32x32xf32>, vector<1024x32xf32>, vector<32x1024xf32> -> vector<32x1024xf32>
    %slice3A_152 = vector.extract_strided_slice %dot_general3A_123 {offsets = [0, 2048], sizes = [32, 1024], strides = [1, 1]} : vector<32x4096xf32> to vector<32x1024xf32>
    %add3A_153 = arith.addf %slice3A_152, %dot_general3A_151 : vector<32x1024xf32>
    %swap3A_154 = arith.constant 2 : index
    %swap3A_155 = arith.constant 0 : index
    %swap3A_156 = arith.constant 2048 : index
    %swap3A_157 = vector.load %arg5[%swap3A_154, %swap3A_155, %swap3A_156] : memref<10x32x4096xf32, #tpu.memory_space<vmem>>, vector<1x32x1024xf32>
    %swap3A_158 = vector.shape_cast %swap3A_157 : vector<1x32x1024xf32> to vector<32x1024xf32>
    %swap3A_159 = vector.shape_cast %add3A_153 : vector<32x1024xf32> to vector<1x32x1024xf32>
    tpu.vector_store %arg5[%swap3A_154, %swap3A_155, %swap3A_156], %swap3A_159 {strides = array<i32>} : memref<10x32x4096xf32, #tpu.memory_space<vmem>>, vector<1x32x1024xf32>,
    %slice3A_160 = vector.extract_strided_slice %get3A_126 {offsets = [0, 96], sizes = [1024, 32], strides = [1, 1]} : vector<1024x128xf32> to vector<1024x32xf32>
    %dot_general3A_161 = arith.constant dense<0.000000e+00> : vector<32x1024xf32>
    %dot_general3A_162 = tpu.matmul %convert_element_type3A_3, %slice3A_160, %dot_general3A_161 {dimension_numbers = #tpu.dot_dimension_numbers<[1], [1], [0], [0], [0, 0, 1, 0], [], []>, transpose_lhs_hint = false} : vector<32x32xf32>, vector<1024x32xf32>, vector<32x1024xf32> -> vector<32x1024xf32>
    %slice3A_163 = vector.extract_strided_slice %dot_general3A_123 {offsets = [0, 3072], sizes = [32, 1024], strides = [1, 1]} : vector<32x4096xf32> to vector<32x1024xf32>
    %add3A_164 = arith.addf %slice3A_163, %dot_general3A_162 : vector<32x1024xf32>
    %swap3A_165 = arith.constant 2 : index
    %swap3A_166 = arith.constant 0 : index
    %swap3A_167 = arith.constant 3072 : index
    %swap3A_168 = vector.load %arg5[%swap3A_165, %swap3A_166, %swap3A_167] : memref<10x32x4096xf32, #tpu.memory_space<vmem>>, vector<1x32x1024xf32>
    %swap3A_169 = vector.shape_cast %swap3A_168 : vector<1x32x1024xf32> to vector<32x1024xf32>
    %swap3A_170 = vector.shape_cast %add3A_164 : vector<32x1024xf32> to vector<1x32x1024xf32>
    tpu.vector_store %arg5[%swap3A_165, %swap3A_166, %swap3A_167], %swap3A_170 {strides = array<i32>} : memref<10x32x4096xf32, #tpu.memory_space<vmem>>, vector<1x32x1024xf32>,
    %get3A_171 = arith.constant 3 : index
    %get3A_172 = arith.constant 0 : index
    %get3A_173 = arith.constant 0 : index
    %get3A_174 = vector.load %arg2[%get3A_171, %get3A_172, %get3A_173] : memref<10x64x4096xf32, #tpu.memory_space<vmem>>, vector<1x64x4096xf32>
    %get3A_175 = vector.shape_cast %get3A_174 : vector<1x64x4096xf32> to vector<64x4096xf32>
    %get3A_176 = arith.constant 0 : index
    %get3A_177 = arith.constant 0 : index
    %get3A_178 = vector.load %arg4[%get3A_176, %get3A_177] : memref<64x32xf32, #tpu.memory_space<vmem>>, vector<64x32xf32>
    %dot_general3A_179 = arith.constant dense<0.000000e+00> : vector<32x4096xf32>
    %dot_general3A_180 = tpu.matmul %get3A_178, %get3A_175, %dot_general3A_179 {dimension_numbers = #tpu.dot_dimension_numbers<[0], [0], [1], [1], [0, 1, 1, 1], [], []>, transpose_lhs_hint = true} : vector<64x32xf32>, vector<64x4096xf32>, vector<32x4096xf32> -> vector<32x4096xf32>
    %get3A_181 = arith.constant 3072 : index
    %get3A_182 = arith.constant 0 : index
    %get3A_183 = vector.load %arg3[%get3A_181, %get3A_182] : memref<10240x128xf32, #tpu.memory_space<vmem>>, vector<1024x128xf32>
    %slice3A_184 = vector.extract_strided_slice %get3A_183 {offsets = [0, 0], sizes = [1024, 32], strides = [1, 1]} : vector<1024x128xf32> to vector<1024x32xf32>
    %dot_general3A_185 = arith.constant dense<0.000000e+00> : vector<32x1024xf32>
    %dot_general3A_186 = tpu.matmul %convert_element_type3A_3, %slice3A_184, %dot_general3A_185 {dimension_numbers = #tpu.dot_dimension_numbers<[1], [1], [0], [0], [0, 0, 1, 0], [], []>, transpose_lhs_hint = false} : vector<32x32xf32>, vector<1024x32xf32>, vector<32x1024xf32> -> vector<32x1024xf32>
    %slice3A_187 = vector.extract_strided_slice %dot_general3A_180 {offsets = [0, 0], sizes = [32, 1024], strides = [1, 1]} : vector<32x4096xf32> to vector<32x1024xf32>
    %add3A_188 = arith.addf %slice3A_187, %dot_general3A_186 : vector<32x1024xf32>
    %swap3A_189 = arith.constant 3 : index
    %swap3A_190 = arith.constant 0 : index
    %swap3A_191 = arith.constant 0 : index
    %swap3A_192 = vector.load %arg5[%swap3A_189, %swap3A_190, %swap3A_191] : memref<10x32x4096xf32, #tpu.memory_space<vmem>>, vector<1x32x1024xf32>
    %swap3A_193 = vector.shape_cast %swap3A_192 : vector<1x32x1024xf32> to vector<32x1024xf32>
    %swap3A_194 = vector.shape_cast %add3A_188 : vector<32x1024xf32> to vector<1x32x1024xf32>
    tpu.vector_store %arg5[%swap3A_189, %swap3A_190, %swap3A_191], %swap3A_194 {strides = array<i32>} : memref<10x32x4096xf32, #tpu.memory_space<vmem>>, vector<1x32x1024xf32>,
    %slice3A_195 = vector.extract_strided_slice %get3A_183 {offsets = [0, 32], sizes = [1024, 32], strides = [1, 1]} : vector<1024x128xf32> to vector<1024x32xf32>
    %dot_general3A_196 = arith.constant dense<0.000000e+00> : vector<32x1024xf32>
    %dot_general3A_197 = tpu.matmul %convert_element_type3A_3, %slice3A_195, %dot_general3A_196 {dimension_numbers = #tpu.dot_dimension_numbers<[1], [1], [0], [0], [0, 0, 1, 0], [], []>, transpose_lhs_hint = false} : vector<32x32xf32>, vector<1024x32xf32>, vector<32x1024xf32> -> vector<32x1024xf32>
    %slice3A_198 = vector.extract_strided_slice %dot_general3A_180 {offsets = [0, 1024], sizes = [32, 1024], strides = [1, 1]} : vector<32x4096xf32> to vector<32x1024xf32>
    %add3A_199 = arith.addf %slice3A_198, %dot_general3A_197 : vector<32x1024xf32>
    %swap3A_200 = arith.constant 3 : index
    %swap3A_201 = arith.constant 0 : index
    %swap3A_202 = arith.constant 1024 : index
    %swap3A_203 = vector.load %arg5[%swap3A_200, %swap3A_201, %swap3A_202] : memref<10x32x4096xf32, #tpu.memory_space<vmem>>, vector<1x32x1024xf32>
    %swap3A_204 = vector.shape_cast %swap3A_203 : vector<1x32x1024xf32> to vector<32x1024xf32>
    %swap3A_205 = vector.shape_cast %add3A_199 : vector<32x1024xf32> to vector<1x32x1024xf32>
    tpu.vector_store %arg5[%swap3A_200, %swap3A_201, %swap3A_202], %swap3A_205 {strides = array<i32>} : memref<10x32x4096xf32, #tpu.memory_space<vmem>>, vector<1x32x1024xf32>,
    %slice3A_206 = vector.extract_strided_slice %get3A_183 {offsets = [0, 64], sizes = [1024, 32], strides = [1, 1]} : vector<1024x128xf32> to vector<1024x32xf32>
    %dot_general3A_207 = arith.constant dense<0.000000e+00> : vector<32x1024xf32>
    %dot_general3A_208 = tpu.matmul %convert_element_type3A_3, %slice3A_206, %dot_general3A_207 {dimension_numbers = #tpu.dot_dimension_numbers<[1], [1], [0], [0], [0, 0, 1, 0], [], []>, transpose_lhs_hint = false} : vector<32x32xf32>, vector<1024x32xf32>, vector<32x1024xf32> -> vector<32x1024xf32>
    %slice3A_209 = vector.extract_strided_slice %dot_general3A_180 {offsets = [0, 2048], sizes = [32, 1024], strides = [1, 1]} : vector<32x4096xf32> to vector<32x1024xf32>
    %add3A_210 = arith.addf %slice3A_209, %dot_general3A_208 : vector<32x1024xf32>
    %swap3A_211 = arith.constant 3 : index
    %swap3A_212 = arith.constant 0 : index
    %swap3A_213 = arith.constant 2048 : index
    %swap3A_214 = vector.load %arg5[%swap3A_211, %swap3A_212, %swap3A_213] : memref<10x32x4096xf32, #tpu.memory_space<vmem>>, vector<1x32x1024xf32>
    %swap3A_215 = vector.shape_cast %swap3A_214 : vector<1x32x1024xf32> to vector<32x1024xf32>
    %swap3A_216 = vector.shape_cast %add3A_210 : vector<32x1024xf32> to vector<1x32x1024xf32>
    tpu.vector_store %arg5[%swap3A_211, %swap3A_212, %swap3A_213], %swap3A_216 {strides = array<i32>} : memref<10x32x4096xf32, #tpu.memory_space<vmem>>, vector<1x32x1024xf32>,
    %slice3A_217 = vector.extract_strided_slice %get3A_183 {offsets = [0, 96], sizes = [1024, 32], strides = [1, 1]} : vector<1024x128xf32> to vector<1024x32xf32>
    %dot_general3A_218 = arith.constant dense<0.000000e+00> : vector<32x1024xf32>
    %dot_general3A_219 = tpu.matmul %convert_element_type3A_3, %slice3A_217, %dot_general3A_218 {dimension_numbers = #tpu.dot_dimension_numbers<[1], [1], [0], [0], [0, 0, 1, 0], [], []>, transpose_lhs_hint = false} : vector<32x32xf32>, vector<1024x32xf32>, vector<32x1024xf32> -> vector<32x1024xf32>
    %slice3A_220 = vector.extract_strided_slice %dot_general3A_180 {offsets = [0, 3072], sizes = [32, 1024], strides = [1, 1]} : vector<32x4096xf32> to vector<32x1024xf32>
    %add3A_221 = arith.addf %slice3A_220, %dot_general3A_219 : vector<32x1024xf32>
    %swap3A_222 = arith.constant 3 : index
    %swap3A_223 = arith.constant 0 : index
    %swap3A_224 = arith.constant 3072 : index
    %swap3A_225 = vector.load %arg5[%swap3A_222, %swap3A_223, %swap3A_224] : memref<10x32x4096xf32, #tpu.memory_space<vmem>>, vector<1x32x1024xf32>
    %swap3A_226 = vector.shape_cast %swap3A_225 : vector<1x32x1024xf32> to vector<32x1024xf32>
    %swap3A_227 = vector.shape_cast %add3A_221 : vector<32x1024xf32> to vector<1x32x1024xf32>
    tpu.vector_store %arg5[%swap3A_222, %swap3A_223, %swap3A_224], %swap3A_227 {strides = array<i32>} : memref<10x32x4096xf32, #tpu.memory_space<vmem>>, vector<1x32x1024xf32>,
    %get3A_228 = arith.constant 4 : index
    %get3A_229 = arith.constant 0 : index
    %get3A_230 = arith.constant 0 : index
    %get3A_231 = vector.load %arg2[%get3A_228, %get3A_229, %get3A_230] : memref<10x64x4096xf32, #tpu.memory_space<vmem>>, vector<1x64x4096xf32>
    %get3A_232 = vector.shape_cast %get3A_231 : vector<1x64x4096xf32> to vector<64x4096xf32>
    %get3A_233 = arith.constant 0 : index
    %get3A_234 = arith.constant 0 : index
    %get3A_235 = vector.load %arg4[%get3A_233, %get3A_234] : memref<64x32xf32, #tpu.memory_space<vmem>>, vector<64x32xf32>
    %dot_general3A_236 = arith.constant dense<0.000000e+00> : vector<32x4096xf32>
    %dot_general3A_237 = tpu.matmul %get3A_235, %get3A_232, %dot_general3A_236 {dimension_numbers = #tpu.dot_dimension_numbers<[0], [0], [1], [1], [0, 1, 1, 1], [], []>, transpose_lhs_hint = true} : vector<64x32xf32>, vector<64x4096xf32>, vector<32x4096xf32> -> vector<32x4096xf32>
    %get3A_238 = arith.constant 4096 : index
    %get3A_239 = arith.constant 0 : index
    %get3A_240 = vector.load %arg3[%get3A_238, %get3A_239] : memref<10240x128xf32, #tpu.memory_space<vmem>>, vector<1024x128xf32>
    %slice3A_241 = vector.extract_strided_slice %get3A_240 {offsets = [0, 0], sizes = [1024, 32], strides = [1, 1]} : vector<1024x128xf32> to vector<1024x32xf32>
    %dot_general3A_242 = arith.constant dense<0.000000e+00> : vector<32x1024xf32>
    %dot_general3A_243 = tpu.matmul %convert_element_type3A_3, %slice3A_241, %dot_general3A_242 {dimension_numbers = #tpu.dot_dimension_numbers<[1], [1], [0], [0], [0, 0, 1, 0], [], []>, transpose_lhs_hint = false} : vector<32x32xf32>, vector<1024x32xf32>, vector<32x1024xf32> -> vector<32x1024xf32>
    %slice3A_244 = vector.extract_strided_slice %dot_general3A_237 {offsets = [0, 0], sizes = [32, 1024], strides = [1, 1]} : vector<32x4096xf32> to vector<32x1024xf32>
    %add3A_245 = arith.addf %slice3A_244, %dot_general3A_243 : vector<32x1024xf32>
    %swap3A_246 = arith.constant 4 : index
    %swap3A_247 = arith.constant 0 : index
    %swap3A_248 = arith.constant 0 : index
    %swap3A_249 = vector.load %arg5[%swap3A_246, %swap3A_247, %swap3A_248] : memref<10x32x4096xf32, #tpu.memory_space<vmem>>, vector<1x32x1024xf32>
    %swap3A_250 = vector.shape_cast %swap3A_249 : vector<1x32x1024xf32> to vector<32x1024xf32>
    %swap3A_251 = vector.shape_cast %add3A_245 : vector<32x1024xf32> to vector<1x32x1024xf32>
    tpu.vector_store %arg5[%swap3A_246, %swap3A_247, %swap3A_248], %swap3A_251 {strides = array<i32>} : memref<10x32x4096xf32, #tpu.memory_space<vmem>>, vector<1x32x1024xf32>,
    %slice3A_252 = vector.extract_strided_slice %get3A_240 {offsets = [0, 32], sizes = [1024, 32], strides = [1, 1]} : vector<1024x128xf32> to vector<1024x32xf32>
    %dot_general3A_253 = arith.constant dense<0.000000e+00> : vector<32x1024xf32>
    %dot_general3A_254 = tpu.matmul %convert_element_type3A_3, %slice3A_252, %dot_general3A_253 {dimension_numbers = #tpu.dot_dimension_numbers<[1], [1], [0], [0], [0, 0, 1, 0], [], []>, transpose_lhs_hint = false} : vector<32x32xf32>, vector<1024x32xf32>, vector<32x1024xf32> -> vector<32x1024xf32>
    %slice3A_255 = vector.extract_strided_slice %dot_general3A_237 {offsets = [0, 1024], sizes = [32, 1024], strides = [1, 1]} : vector<32x4096xf32> to vector<32x1024xf32>
    %add3A_256 = arith.addf %slice3A_255, %dot_general3A_254 : vector<32x1024xf32>
    %swap3A_257 = arith.constant 4 : index
    %swap3A_258 = arith.constant 0 : index
    %swap3A_259 = arith.constant 1024 : index
    %swap3A_260 = vector.load %arg5[%swap3A_257, %swap3A_258, %swap3A_259] : memref<10x32x4096xf32, #tpu.memory_space<vmem>>, vector<1x32x1024xf32>
    %swap3A_261 = vector.shape_cast %swap3A_260 : vector<1x32x1024xf32> to vector<32x1024xf32>
    %swap3A_262 = vector.shape_cast %add3A_256 : vector<32x1024xf32> to vector<1x32x1024xf32>
    tpu.vector_store %arg5[%swap3A_257, %swap3A_258, %swap3A_259], %swap3A_262 {strides = array<i32>} : memref<10x32x4096xf32, #tpu.memory_space<vmem>>, vector<1x32x1024xf32>,
    %slice3A_263 = vector.extract_strided_slice %get3A_240 {offsets = [0, 64], sizes = [1024, 32], strides = [1, 1]} : vector<1024x128xf32> to vector<1024x32xf32>
    %dot_general3A_264 = arith.constant dense<0.000000e+00> : vector<32x1024xf32>
    %dot_general3A_265 = tpu.matmul %convert_element_type3A_3, %slice3A_263, %dot_general3A_264 {dimension_numbers = #tpu.dot_dimension_numbers<[1], [1], [0], [0], [0, 0, 1, 0], [], []>, transpose_lhs_hint = false} : vector<32x32xf32>, vector<1024x32xf32>, vector<32x1024xf32> -> vector<32x1024xf32>
    %slice3A_266 = vector.extract_strided_slice %dot_general3A_237 {offsets = [0, 2048], sizes = [32, 1024], strides = [1, 1]} : vector<32x4096xf32> to vector<32x1024xf32>
    %add3A_267 = arith.addf %slice3A_266, %dot_general3A_265 : vector<32x1024xf32>
    %swap3A_268 = arith.constant 4 : index
    %swap3A_269 = arith.constant 0 : index
    %swap3A_270 = arith.constant 2048 : index
    %swap3A_271 = vector.load %arg5[%swap3A_268, %swap3A_269, %swap3A_270] : memref<10x32x4096xf32, #tpu.memory_space<vmem>>, vector<1x32x1024xf32>
    %swap3A_272 = vector.shape_cast %swap3A_271 : vector<1x32x1024xf32> to vector<32x1024xf32>
    %swap3A_273 = vector.shape_cast %add3A_267 : vector<32x1024xf32> to vector<1x32x1024xf32>
    tpu.vector_store %arg5[%swap3A_268, %swap3A_269, %swap3A_270], %swap3A_273 {strides = array<i32>} : memref<10x32x4096xf32, #tpu.memory_space<vmem>>, vector<1x32x1024xf32>,
    %slice3A_274 = vector.extract_strided_slice %get3A_240 {offsets = [0, 96], sizes = [1024, 32], strides = [1, 1]} : vector<1024x128xf32> to vector<1024x32xf32>
    %dot_general3A_275 = arith.constant dense<0.000000e+00> : vector<32x1024xf32>
    %dot_general3A_276 = tpu.matmul %convert_element_type3A_3, %slice3A_274, %dot_general3A_275 {dimension_numbers = #tpu.dot_dimension_numbers<[1], [1], [0], [0], [0, 0, 1, 0], [], []>, transpose_lhs_hint = false} : vector<32x32xf32>, vector<1024x32xf32>, vector<32x1024xf32> -> vector<32x1024xf32>
    %slice3A_277 = vector.extract_strided_slice %dot_general3A_237 {offsets = [0, 3072], sizes = [32, 1024], strides = [1, 1]} : vector<32x4096xf32> to vector<32x1024xf32>
    %add3A_278 = arith.addf %slice3A_277, %dot_general3A_276 : vector<32x1024xf32>
    %swap3A_279 = arith.constant 4 : index
    %swap3A_280 = arith.constant 0 : index
    %swap3A_281 = arith.constant 3072 : index
    %swap3A_282 = vector.load %arg5[%swap3A_279, %swap3A_280, %swap3A_281] : memref<10x32x4096xf32, #tpu.memory_space<vmem>>, vector<1x32x1024xf32>
    %swap3A_283 = vector.shape_cast %swap3A_282 : vector<1x32x1024xf32> to vector<32x1024xf32>
    %swap3A_284 = vector.shape_cast %add3A_278 : vector<32x1024xf32> to vector<1x32x1024xf32>
    tpu.vector_store %arg5[%swap3A_279, %swap3A_280, %swap3A_281], %swap3A_284 {strides = array<i32>} : memref<10x32x4096xf32, #tpu.memory_space<vmem>>, vector<1x32x1024xf32>,
    %get3A_285 = arith.constant 5 : index
    %get3A_286 = arith.constant 0 : index
    %get3A_287 = arith.constant 0 : index
    %get3A_288 = vector.load %arg2[%get3A_285, %get3A_286, %get3A_287] : memref<10x64x4096xf32, #tpu.memory_space<vmem>>, vector<1x64x4096xf32>
    %get3A_289 = vector.shape_cast %get3A_288 : vector<1x64x4096xf32> to vector<64x4096xf32>
    %get3A_290 = arith.constant 0 : index
    %get3A_291 = arith.constant 0 : index
    %get3A_292 = vector.load %arg4[%get3A_290, %get3A_291] : memref<64x32xf32, #tpu.memory_space<vmem>>, vector<64x32xf32>
    %dot_general3A_293 = arith.constant dense<0.000000e+00> : vector<32x4096xf32>
    %dot_general3A_294 = tpu.matmul %get3A_292, %get3A_289, %dot_general3A_293 {dimension_numbers = #tpu.dot_dimension_numbers<[0], [0], [1], [1], [0, 1, 1, 1], [], []>, transpose_lhs_hint = true} : vector<64x32xf32>, vector<64x4096xf32>, vector<32x4096xf32> -> vector<32x4096xf32>
    %get3A_295 = arith.constant 5120 : index
    %get3A_296 = arith.constant 0 : index
    %get3A_297 = vector.load %arg3[%get3A_295, %get3A_296] : memref<10240x128xf32, #tpu.memory_space<vmem>>, vector<1024x128xf32>
    %slice3A_298 = vector.extract_strided_slice %get3A_297 {offsets = [0, 0], sizes = [1024, 32], strides = [1, 1]} : vector<1024x128xf32> to vector<1024x32xf32>
    %dot_general3A_299 = arith.constant dense<0.000000e+00> : vector<32x1024xf32>
    %dot_general3A_300 = tpu.matmul %convert_element_type3A_3, %slice3A_298, %dot_general3A_299 {dimension_numbers = #tpu.dot_dimension_numbers<[1], [1], [0], [0], [0, 0, 1, 0], [], []>, transpose_lhs_hint = false} : vector<32x32xf32>, vector<1024x32xf32>, vector<32x1024xf32> -> vector<32x1024xf32>
    %slice3A_301 = vector.extract_strided_slice %dot_general3A_294 {offsets = [0, 0], sizes = [32, 1024], strides = [1, 1]} : vector<32x4096xf32> to vector<32x1024xf32>
    %add3A_302 = arith.addf %slice3A_301, %dot_general3A_300 : vector<32x1024xf32>
    %swap3A_303 = arith.constant 5 : index
    %swap3A_304 = arith.constant 0 : index
    %swap3A_305 = arith.constant 0 : index
    %swap3A_306 = vector.load %arg5[%swap3A_303, %swap3A_304, %swap3A_305] : memref<10x32x4096xf32, #tpu.memory_space<vmem>>, vector<1x32x1024xf32>
    %swap3A_307 = vector.shape_cast %swap3A_306 : vector<1x32x1024xf32> to vector<32x1024xf32>
    %swap3A_308 = vector.shape_cast %add3A_302 : vector<32x1024xf32> to vector<1x32x1024xf32>
    tpu.vector_store %arg5[%swap3A_303, %swap3A_304, %swap3A_305], %swap3A_308 {strides = array<i32>} : memref<10x32x4096xf32, #tpu.memory_space<vmem>>, vector<1x32x1024xf32>,
    %slice3A_309 = vector.extract_strided_slice %get3A_297 {offsets = [0, 32], sizes = [1024, 32], strides = [1, 1]} : vector<1024x128xf32> to vector<1024x32xf32>
    %dot_general3A_310 = arith.constant dense<0.000000e+00> : vector<32x1024xf32>
    %dot_general3A_311 = tpu.matmul %convert_element_type3A_3, %slice3A_309, %dot_general3A_310 {dimension_numbers = #tpu.dot_dimension_numbers<[1], [1], [0], [0], [0, 0, 1, 0], [], []>, transpose_lhs_hint = false} : vector<32x32xf32>, vector<1024x32xf32>, vector<32x1024xf32> -> vector<32x1024xf32>
    %slice3A_312 = vector.extract_strided_slice %dot_general3A_294 {offsets = [0, 1024], sizes = [32, 1024], strides = [1, 1]} : vector<32x4096xf32> to vector<32x1024xf32>
    %add3A_313 = arith.addf %slice3A_312, %dot_general3A_311 : vector<32x1024xf32>
    %swap3A_314 = arith.constant 5 : index
    %swap3A_315 = arith.constant 0 : index
    %swap3A_316 = arith.constant 1024 : index
    %swap3A_317 = vector.load %arg5[%swap3A_314, %swap3A_315, %swap3A_316] : memref<10x32x4096xf32, #tpu.memory_space<vmem>>, vector<1x32x1024xf32>
    %swap3A_318 = vector.shape_cast %swap3A_317 : vector<1x32x1024xf32> to vector<32x1024xf32>
    %swap3A_319 = vector.shape_cast %add3A_313 : vector<32x1024xf32> to vector<1x32x1024xf32>
    tpu.vector_store %arg5[%swap3A_314, %swap3A_315, %swap3A_316], %swap3A_319 {strides = array<i32>} : memref<10x32x4096xf32, #tpu.memory_space<vmem>>, vector<1x32x1024xf32>,
    %slice3A_320 = vector.extract_strided_slice %get3A_297 {offsets = [0, 64], sizes = [1024, 32], strides = [1, 1]} : vector<1024x128xf32> to vector<1024x32xf32>
    %dot_general3A_321 = arith.constant dense<0.000000e+00> : vector<32x1024xf32>
    %dot_general3A_322 = tpu.matmul %convert_element_type3A_3, %slice3A_320, %dot_general3A_321 {dimension_numbers = #tpu.dot_dimension_numbers<[1], [1], [0], [0], [0, 0, 1, 0], [], []>, transpose_lhs_hint = false} : vector<32x32xf32>, vector<1024x32xf32>, vector<32x1024xf32> -> vector<32x1024xf32>
    %slice3A_323 = vector.extract_strided_slice %dot_general3A_294 {offsets = [0, 2048], sizes = [32, 1024], strides = [1, 1]} : vector<32x4096xf32> to vector<32x1024xf32>
    %add3A_324 = arith.addf %slice3A_323, %dot_general3A_322 : vector<32x1024xf32>
    %swap3A_325 = arith.constant 5 : index
    %swap3A_326 = arith.constant 0 : index
    %swap3A_327 = arith.constant 2048 : index
    %swap3A_328 = vector.load %arg5[%swap3A_325, %swap3A_326, %swap3A_327] : memref<10x32x4096xf32, #tpu.memory_space<vmem>>, vector<1x32x1024xf32>
    %swap3A_329 = vector.shape_cast %swap3A_328 : vector<1x32x1024xf32> to vector<32x1024xf32>
    %swap3A_330 = vector.shape_cast %add3A_324 : vector<32x1024xf32> to vector<1x32x1024xf32>
    tpu.vector_store %arg5[%swap3A_325, %swap3A_326, %swap3A_327], %swap3A_330 {strides = array<i32>} : memref<10x32x4096xf32, #tpu.memory_space<vmem>>, vector<1x32x1024xf32>,
    %slice3A_331 = vector.extract_strided_slice %get3A_297 {offsets = [0, 96], sizes = [1024, 32], strides = [1, 1]} : vector<1024x128xf32> to vector<1024x32xf32>
    %dot_general3A_332 = arith.constant dense<0.000000e+00> : vector<32x1024xf32>
    %dot_general3A_333 = tpu.matmul %convert_element_type3A_3, %slice3A_331, %dot_general3A_332 {dimension_numbers = #tpu.dot_dimension_numbers<[1], [1], [0], [0], [0, 0, 1, 0], [], []>, transpose_lhs_hint = false} : vector<32x32xf32>, vector<1024x32xf32>, vector<32x1024xf32> -> vector<32x1024xf32>
    %slice3A_334 = vector.extract_strided_slice %dot_general3A_294 {offsets = [0, 3072], sizes = [32, 1024], strides = [1, 1]} : vector<32x4096xf32> to vector<32x1024xf32>
    %add3A_335 = arith.addf %slice3A_334, %dot_general3A_333 : vector<32x1024xf32>
    %swap3A_336 = arith.constant 5 : index
    %swap3A_337 = arith.constant 0 : index
    %swap3A_338 = arith.constant 3072 : index
    %swap3A_339 = vector.load %arg5[%swap3A_336, %swap3A_337, %swap3A_338] : memref<10x32x4096xf32, #tpu.memory_space<vmem>>, vector<1x32x1024xf32>
    %swap3A_340 = vector.shape_cast %swap3A_339 : vector<1x32x1024xf32> to vector<32x1024xf32>
    %swap3A_341 = vector.shape_cast %add3A_335 : vector<32x1024xf32> to vector<1x32x1024xf32>
    tpu.vector_store %arg5[%swap3A_336, %swap3A_337, %swap3A_338], %swap3A_341 {strides = array<i32>} : memref<10x32x4096xf32, #tpu.memory_space<vmem>>, vector<1x32x1024xf32>,
    %get3A_342 = arith.constant 6 : index
    %get3A_343 = arith.constant 0 : index
    %get3A_344 = arith.constant 0 : index
    %get3A_345 = vector.load %arg2[%get3A_342, %get3A_343, %get3A_344] : memref<10x64x4096xf32, #tpu.memory_space<vmem>>, vector<1x64x4096xf32>
    %get3A_346 = vector.shape_cast %get3A_345 : vector<1x64x4096xf32> to vector<64x4096xf32>
    %get3A_347 = arith.constant 0 : index
    %get3A_348 = arith.constant 0 : index
    %get3A_349 = vector.load %arg4[%get3A_347, %get3A_348] : memref<64x32xf32, #tpu.memory_space<vmem>>, vector<64x32xf32>
    %dot_general3A_350 = arith.constant dense<0.000000e+00> : vector<32x4096xf32>
    %dot_general3A_351 = tpu.matmul %get3A_349, %get3A_346, %dot_general3A_350 {dimension_numbers = #tpu.dot_dimension_numbers<[0], [0], [1], [1], [0, 1, 1, 1], [], []>, transpose_lhs_hint = true} : vector<64x32xf32>, vector<64x4096xf32>, vector<32x4096xf32> -> vector<32x4096xf32>
    %get3A_352 = arith.constant 6144 : index
    %get3A_353 = arith.constant 0 : index
    %get3A_354 = vector.load %arg3[%get3A_352, %get3A_353] : memref<10240x128xf32, #tpu.memory_space<vmem>>, vector<1024x128xf32>
    %slice3A_355 = vector.extract_strided_slice %get3A_354 {offsets = [0, 0], sizes = [1024, 32], strides = [1, 1]} : vector<1024x128xf32> to vector<1024x32xf32>
    %dot_general3A_356 = arith.constant dense<0.000000e+00> : vector<32x1024xf32>
    %dot_general3A_357 = tpu.matmul %convert_element_type3A_3, %slice3A_355, %dot_general3A_356 {dimension_numbers = #tpu.dot_dimension_numbers<[1], [1], [0], [0], [0, 0, 1, 0], [], []>, transpose_lhs_hint = false} : vector<32x32xf32>, vector<1024x32xf32>, vector<32x1024xf32> -> vector<32x1024xf32>
    %slice3A_358 = vector.extract_strided_slice %dot_general3A_351 {offsets = [0, 0], sizes = [32, 1024], strides = [1, 1]} : vector<32x4096xf32> to vector<32x1024xf32>
    %add3A_359 = arith.addf %slice3A_358, %dot_general3A_357 : vector<32x1024xf32>
    %swap3A_360 = arith.constant 6 : index
    %swap3A_361 = arith.constant 0 : index
    %swap3A_362 = arith.constant 0 : index
    %swap3A_363 = vector.load %arg5[%swap3A_360, %swap3A_361, %swap3A_362] : memref<10x32x4096xf32, #tpu.memory_space<vmem>>, vector<1x32x1024xf32>
    %swap3A_364 = vector.shape_cast %swap3A_363 : vector<1x32x1024xf32> to vector<32x1024xf32>
    %swap3A_365 = vector.shape_cast %add3A_359 : vector<32x1024xf32> to vector<1x32x1024xf32>
    tpu.vector_store %arg5[%swap3A_360, %swap3A_361, %swap3A_362], %swap3A_365 {strides = array<i32>} : memref<10x32x4096xf32, #tpu.memory_space<vmem>>, vector<1x32x1024xf32>,
    %slice3A_366 = vector.extract_strided_slice %get3A_354 {offsets = [0, 32], sizes = [1024, 32], strides = [1, 1]} : vector<1024x128xf32> to vector<1024x32xf32>
    %dot_general3A_367 = arith.constant dense<0.000000e+00> : vector<32x1024xf32>
    %dot_general3A_368 = tpu.matmul %convert_element_type3A_3, %slice3A_366, %dot_general3A_367 {dimension_numbers = #tpu.dot_dimension_numbers<[1], [1], [0], [0], [0, 0, 1, 0], [], []>, transpose_lhs_hint = false} : vector<32x32xf32>, vector<1024x32xf32>, vector<32x1024xf32> -> vector<32x1024xf32>
    %slice3A_369 = vector.extract_strided_slice %dot_general3A_351 {offsets = [0, 1024], sizes = [32, 1024], strides = [1, 1]} : vector<32x4096xf32> to vector<32x1024xf32>
    %add3A_370 = arith.addf %slice3A_369, %dot_general3A_368 : vector<32x1024xf32>
    %swap3A_371 = arith.constant 6 : index
    %swap3A_372 = arith.constant 0 : index
    %swap3A_373 = arith.constant 1024 : index
    %swap3A_374 = vector.load %arg5[%swap3A_371, %swap3A_372, %swap3A_373] : memref<10x32x4096xf32, #tpu.memory_space<vmem>>, vector<1x32x1024xf32>
    %swap3A_375 = vector.shape_cast %swap3A_374 : vector<1x32x1024xf32> to vector<32x1024xf32>
    %swap3A_376 = vector.shape_cast %add3A_370 : vector<32x1024xf32> to vector<1x32x1024xf32>
    tpu.vector_store %arg5[%swap3A_371, %swap3A_372, %swap3A_373], %swap3A_376 {strides = array<i32>} : memref<10x32x4096xf32, #tpu.memory_space<vmem>>, vector<1x32x1024xf32>,
    %slice3A_377 = vector.extract_strided_slice %get3A_354 {offsets = [0, 64], sizes = [1024, 32], strides = [1, 1]} : vector<1024x128xf32> to vector<1024x32xf32>
    %dot_general3A_378 = arith.constant dense<0.000000e+00> : vector<32x1024xf32>
    %dot_general3A_379 = tpu.matmul %convert_element_type3A_3, %slice3A_377, %dot_general3A_378 {dimension_numbers = #tpu.dot_dimension_numbers<[1], [1], [0], [0], [0, 0, 1, 0], [], []>, transpose_lhs_hint = false} : vector<32x32xf32>, vector<1024x32xf32>, vector<32x1024xf32> -> vector<32x1024xf32>
    %slice3A_380 = vector.extract_strided_slice %dot_general3A_351 {offsets = [0, 2048], sizes = [32, 1024], strides = [1, 1]} : vector<32x4096xf32> to vector<32x1024xf32>
    %add3A_381 = arith.addf %slice3A_380, %dot_general3A_379 : vector<32x1024xf32>
    %swap3A_382 = arith.constant 6 : index
    %swap3A_383 = arith.constant 0 : index
    %swap3A_384 = arith.constant 2048 : index
    %swap3A_385 = vector.load %arg5[%swap3A_382, %swap3A_383, %swap3A_384] : memref<10x32x4096xf32, #tpu.memory_space<vmem>>, vector<1x32x1024xf32>
    %swap3A_386 = vector.shape_cast %swap3A_385 : vector<1x32x1024xf32> to vector<32x1024xf32>
    %swap3A_387 = vector.shape_cast %add3A_381 : vector<32x1024xf32> to vector<1x32x1024xf32>
    tpu.vector_store %arg5[%swap3A_382, %swap3A_383, %swap3A_384], %swap3A_387 {strides = array<i32>} : memref<10x32x4096xf32, #tpu.memory_space<vmem>>, vector<1x32x1024xf32>,
    %slice3A_388 = vector.extract_strided_slice %get3A_354 {offsets = [0, 96], sizes = [1024, 32], strides = [1, 1]} : vector<1024x128xf32> to vector<1024x32xf32>
    %dot_general3A_389 = arith.constant dense<0.000000e+00> : vector<32x1024xf32>
    %dot_general3A_390 = tpu.matmul %convert_element_type3A_3, %slice3A_388, %dot_general3A_389 {dimension_numbers = #tpu.dot_dimension_numbers<[1], [1], [0], [0], [0, 0, 1, 0], [], []>, transpose_lhs_hint = false} : vector<32x32xf32>, vector<1024x32xf32>, vector<32x1024xf32> -> vector<32x1024xf32>
    %slice3A_391 = vector.extract_strided_slice %dot_general3A_351 {offsets = [0, 3072], sizes = [32, 1024], strides = [1, 1]} : vector<32x4096xf32> to vector<32x1024xf32>
    %add3A_392 = arith.addf %slice3A_391, %dot_general3A_390 : vector<32x1024xf32>
    %swap3A_393 = arith.constant 6 : index
    %swap3A_394 = arith.constant 0 : index
    %swap3A_395 = arith.constant 3072 : index
    %swap3A_396 = vector.load %arg5[%swap3A_393, %swap3A_394, %swap3A_395] : memref<10x32x4096xf32, #tpu.memory_space<vmem>>, vector<1x32x1024xf32>
    %swap3A_397 = vector.shape_cast %swap3A_396 : vector<1x32x1024xf32> to vector<32x1024xf32>
    %swap3A_398 = vector.shape_cast %add3A_392 : vector<32x1024xf32> to vector<1x32x1024xf32>
    tpu.vector_store %arg5[%swap3A_393, %swap3A_394, %swap3A_395], %swap3A_398 {strides = array<i32>} : memref<10x32x4096xf32, #tpu.memory_space<vmem>>, vector<1x32x1024xf32>,
    %get3A_399 = arith.constant 7 : index
    %get3A_400 = arith.constant 0 : index
    %get3A_401 = arith.constant 0 : index
    %get3A_402 = vector.load %arg2[%get3A_399, %get3A_400, %get3A_401] : memref<10x64x4096xf32, #tpu.memory_space<vmem>>, vector<1x64x4096xf32>
    %get3A_403 = vector.shape_cast %get3A_402 : vector<1x64x4096xf32> to vector<64x4096xf32>
    %get3A_404 = arith.constant 0 : index
    %get3A_405 = arith.constant 0 : index
    %get3A_406 = vector.load %arg4[%get3A_404, %get3A_405] : memref<64x32xf32, #tpu.memory_space<vmem>>, vector<64x32xf32>
    %dot_general3A_407 = arith.constant dense<0.000000e+00> : vector<32x4096xf32>
    %dot_general3A_408 = tpu.matmul %get3A_406, %get3A_403, %dot_general3A_407 {dimension_numbers = #tpu.dot_dimension_numbers<[0], [0], [1], [1], [0, 1, 1, 1], [], []>, transpose_lhs_hint = true} : vector<64x32xf32>, vector<64x4096xf32>, vector<32x4096xf32> -> vector<32x4096xf32>
    %get3A_409 = arith.constant 7168 : index
    %get3A_410 = arith.constant 0 : index
    %get3A_411 = vector.load %arg3[%get3A_409, %get3A_410] : memref<10240x128xf32, #tpu.memory_space<vmem>>, vector<1024x128xf32>
    %slice3A_412 = vector.extract_strided_slice %get3A_411 {offsets = [0, 0], sizes = [1024, 32], strides = [1, 1]} : vector<1024x128xf32> to vector<1024x32xf32>
    %dot_general3A_413 = arith.constant dense<0.000000e+00> : vector<32x1024xf32>
    %dot_general3A_414 = tpu.matmul %convert_element_type3A_3, %slice3A_412, %dot_general3A_413 {dimension_numbers = #tpu.dot_dimension_numbers<[1], [1], [0], [0], [0, 0, 1, 0], [], []>, transpose_lhs_hint = false} : vector<32x32xf32>, vector<1024x32xf32>, vector<32x1024xf32> -> vector<32x1024xf32>
    %slice3A_415 = vector.extract_strided_slice %dot_general3A_408 {offsets = [0, 0], sizes = [32, 1024], strides = [1, 1]} : vector<32x4096xf32> to vector<32x1024xf32>
    %add3A_416 = arith.addf %slice3A_415, %dot_general3A_414 : vector<32x1024xf32>
    %swap3A_417 = arith.constant 7 : index
    %swap3A_418 = arith.constant 0 : index
    %swap3A_419 = arith.constant 0 : index
    %swap3A_420 = vector.load %arg5[%swap3A_417, %swap3A_418, %swap3A_419] : memref<10x32x4096xf32, #tpu.memory_space<vmem>>, vector<1x32x1024xf32>
    %swap3A_421 = vector.shape_cast %swap3A_420 : vector<1x32x1024xf32> to vector<32x1024xf32>
    %swap3A_422 = vector.shape_cast %add3A_416 : vector<32x1024xf32> to vector<1x32x1024xf32>
    tpu.vector_store %arg5[%swap3A_417, %swap3A_418, %swap3A_419], %swap3A_422 {strides = array<i32>} : memref<10x32x4096xf32, #tpu.memory_space<vmem>>, vector<1x32x1024xf32>,
    %slice3A_423 = vector.extract_strided_slice %get3A_411 {offsets = [0, 32], sizes = [1024, 32], strides = [1, 1]} : vector<1024x128xf32> to vector<1024x32xf32>
    %dot_general3A_424 = arith.constant dense<0.000000e+00> : vector<32x1024xf32>
    %dot_general3A_425 = tpu.matmul %convert_element_type3A_3, %slice3A_423, %dot_general3A_424 {dimension_numbers = #tpu.dot_dimension_numbers<[1], [1], [0], [0], [0, 0, 1, 0], [], []>, transpose_lhs_hint = false} : vector<32x32xf32>, vector<1024x32xf32>, vector<32x1024xf32> -> vector<32x1024xf32>
    %slice3A_426 = vector.extract_strided_slice %dot_general3A_408 {offsets = [0, 1024], sizes = [32, 1024], strides = [1, 1]} : vector<32x4096xf32> to vector<32x1024xf32>
    %add3A_427 = arith.addf %slice3A_426, %dot_general3A_425 : vector<32x1024xf32>
    %swap3A_428 = arith.constant 7 : index
    %swap3A_429 = arith.constant 0 : index
    %swap3A_430 = arith.constant 1024 : index
    %swap3A_431 = vector.load %arg5[%swap3A_428, %swap3A_429, %swap3A_430] : memref<10x32x4096xf32, #tpu.memory_space<vmem>>, vector<1x32x1024xf32>
    %swap3A_432 = vector.shape_cast %swap3A_431 : vector<1x32x1024xf32> to vector<32x1024xf32>
    %swap3A_433 = vector.shape_cast %add3A_427 : vector<32x1024xf32> to vector<1x32x1024xf32>
    tpu.vector_store %arg5[%swap3A_428, %swap3A_429, %swap3A_430], %swap3A_433 {strides = array<i32>} : memref<10x32x4096xf32, #tpu.memory_space<vmem>>, vector<1x32x1024xf32>,
    %slice3A_434 = vector.extract_strided_slice %get3A_411 {offsets = [0, 64], sizes = [1024, 32], strides = [1, 1]} : vector<1024x128xf32> to vector<1024x32xf32>
    %dot_general3A_435 = arith.constant dense<0.000000e+00> : vector<32x1024xf32>
    %dot_general3A_436 = tpu.matmul %convert_element_type3A_3, %slice3A_434, %dot_general3A_435 {dimension_numbers = #tpu.dot_dimension_numbers<[1], [1], [0], [0], [0, 0, 1, 0], [], []>, transpose_lhs_hint = false} : vector<32x32xf32>, vector<1024x32xf32>, vector<32x1024xf32> -> vector<32x1024xf32>
    %slice3A_437 = vector.extract_strided_slice %dot_general3A_408 {offsets = [0, 2048], sizes = [32, 1024], strides = [1, 1]} : vector<32x4096xf32> to vector<32x1024xf32>
    %add3A_438 = arith.addf %slice3A_437, %dot_general3A_436 : vector<32x1024xf32>
    %swap3A_439 = arith.constant 7 : index
    %swap3A_440 = arith.constant 0 : index
    %swap3A_441 = arith.constant 2048 : index
    %swap3A_442 = vector.load %arg5[%swap3A_439, %swap3A_440, %swap3A_441] : memref<10x32x4096xf32, #tpu.memory_space<vmem>>, vector<1x32x1024xf32>
    %swap3A_443 = vector.shape_cast %swap3A_442 : vector<1x32x1024xf32> to vector<32x1024xf32>
    %swap3A_444 = vector.shape_cast %add3A_438 : vector<32x1024xf32> to vector<1x32x1024xf32>
    tpu.vector_store %arg5[%swap3A_439, %swap3A_440, %swap3A_441], %swap3A_444 {strides = array<i32>} : memref<10x32x4096xf32, #tpu.memory_space<vmem>>, vector<1x32x1024xf32>,
    %slice3A_445 = vector.extract_strided_slice %get3A_411 {offsets = [0, 96], sizes = [1024, 32], strides = [1, 1]} : vector<1024x128xf32> to vector<1024x32xf32>
    %dot_general3A_446 = arith.constant dense<0.000000e+00> : vector<32x1024xf32>
    %dot_general3A_447 = tpu.matmul %convert_element_type3A_3, %slice3A_445, %dot_general3A_446 {dimension_numbers = #tpu.dot_dimension_numbers<[1], [1], [0], [0], [0, 0, 1, 0], [], []>, transpose_lhs_hint = false} : vector<32x32xf32>, vector<1024x32xf32>, vector<32x1024xf32> -> vector<32x1024xf32>
    %slice3A_448 = vector.extract_strided_slice %dot_general3A_408 {offsets = [0, 3072], sizes = [32, 1024], strides = [1, 1]} : vector<32x4096xf32> to vector<32x1024xf32>
    %add3A_449 = arith.addf %slice3A_448, %dot_general3A_447 : vector<32x1024xf32>
    %swap3A_450 = arith.constant 7 : index
    %swap3A_451 = arith.constant 0 : index
    %swap3A_452 = arith.constant 3072 : index
    %swap3A_453 = vector.load %arg5[%swap3A_450, %swap3A_451, %swap3A_452] : memref<10x32x4096xf32, #tpu.memory_space<vmem>>, vector<1x32x1024xf32>
    %swap3A_454 = vector.shape_cast %swap3A_453 : vector<1x32x1024xf32> to vector<32x1024xf32>
    %swap3A_455 = vector.shape_cast %add3A_449 : vector<32x1024xf32> to vector<1x32x1024xf32>
    tpu.vector_store %arg5[%swap3A_450, %swap3A_451, %swap3A_452], %swap3A_455 {strides = array<i32>} : memref<10x32x4096xf32, #tpu.memory_space<vmem>>, vector<1x32x1024xf32>,
    %get3A_456 = arith.constant 8 : index
    %get3A_457 = arith.constant 0 : index
    %get3A_458 = arith.constant 0 : index
    %get3A_459 = vector.load %arg2[%get3A_456, %get3A_457, %get3A_458] : memref<10x64x4096xf32, #tpu.memory_space<vmem>>, vector<1x64x4096xf32>
    %get3A_460 = vector.shape_cast %get3A_459 : vector<1x64x4096xf32> to vector<64x4096xf32>
    %get3A_461 = arith.constant 0 : index
    %get3A_462 = arith.constant 0 : index
    %get3A_463 = vector.load %arg4[%get3A_461, %get3A_462] : memref<64x32xf32, #tpu.memory_space<vmem>>, vector<64x32xf32>
    %dot_general3A_464 = arith.constant dense<0.000000e+00> : vector<32x4096xf32>
    %dot_general3A_465 = tpu.matmul %get3A_463, %get3A_460, %dot_general3A_464 {dimension_numbers = #tpu.dot_dimension_numbers<[0], [0], [1], [1], [0, 1, 1, 1], [], []>, transpose_lhs_hint = true} : vector<64x32xf32>, vector<64x4096xf32>, vector<32x4096xf32> -> vector<32x4096xf32>
    %get3A_466 = arith.constant 8192 : index
    %get3A_467 = arith.constant 0 : index
    %get3A_468 = vector.load %arg3[%get3A_466, %get3A_467] : memref<10240x128xf32, #tpu.memory_space<vmem>>, vector<1024x128xf32>
    %slice3A_469 = vector.extract_strided_slice %get3A_468 {offsets = [0, 0], sizes = [1024, 32], strides = [1, 1]} : vector<1024x128xf32> to vector<1024x32xf32>
    %dot_general3A_470 = arith.constant dense<0.000000e+00> : vector<32x1024xf32>
    %dot_general3A_471 = tpu.matmul %convert_element_type3A_3, %slice3A_469, %dot_general3A_470 {dimension_numbers = #tpu.dot_dimension_numbers<[1], [1], [0], [0], [0, 0, 1, 0], [], []>, transpose_lhs_hint = false} : vector<32x32xf32>, vector<1024x32xf32>, vector<32x1024xf32> -> vector<32x1024xf32>
    %slice3A_472 = vector.extract_strided_slice %dot_general3A_465 {offsets = [0, 0], sizes = [32, 1024], strides = [1, 1]} : vector<32x4096xf32> to vector<32x1024xf32>
    %add3A_473 = arith.addf %slice3A_472, %dot_general3A_471 : vector<32x1024xf32>
    %swap3A_474 = arith.constant 8 : index
    %swap3A_475 = arith.constant 0 : index
    %swap3A_476 = arith.constant 0 : index
    %swap3A_477 = vector.load %arg5[%swap3A_474, %swap3A_475, %swap3A_476] : memref<10x32x4096xf32, #tpu.memory_space<vmem>>, vector<1x32x1024xf32>
    %swap3A_478 = vector.shape_cast %swap3A_477 : vector<1x32x1024xf32> to vector<32x1024xf32>
    %swap3A_479 = vector.shape_cast %add3A_473 : vector<32x1024xf32> to vector<1x32x1024xf32>
    tpu.vector_store %arg5[%swap3A_474, %swap3A_475, %swap3A_476], %swap3A_479 {strides = array<i32>} : memref<10x32x4096xf32, #tpu.memory_space<vmem>>, vector<1x32x1024xf32>,
    %slice3A_480 = vector.extract_strided_slice %get3A_468 {offsets = [0, 32], sizes = [1024, 32], strides = [1, 1]} : vector<1024x128xf32> to vector<1024x32xf32>
    %dot_general3A_481 = arith.constant dense<0.000000e+00> : vector<32x1024xf32>
    %dot_general3A_482 = tpu.matmul %convert_element_type3A_3, %slice3A_480, %dot_general3A_481 {dimension_numbers = #tpu.dot_dimension_numbers<[1], [1], [0], [0], [0, 0, 1, 0], [], []>, transpose_lhs_hint = false} : vector<32x32xf32>, vector<1024x32xf32>, vector<32x1024xf32> -> vector<32x1024xf32>
    %slice3A_483 = vector.extract_strided_slice %dot_general3A_465 {offsets = [0, 1024], sizes = [32, 1024], strides = [1, 1]} : vector<32x4096xf32> to vector<32x1024xf32>
    %add3A_484 = arith.addf %slice3A_483, %dot_general3A_482 : vector<32x1024xf32>
    %swap3A_485 = arith.constant 8 : index
    %swap3A_486 = arith.constant 0 : index
    %swap3A_487 = arith.constant 1024 : index
    %swap3A_488 = vector.load %arg5[%swap3A_485, %swap3A_486, %swap3A_487] : memref<10x32x4096xf32, #tpu.memory_space<vmem>>, vector<1x32x1024xf32>
    %swap3A_489 = vector.shape_cast %swap3A_488 : vector<1x32x1024xf32> to vector<32x1024xf32>
    %swap3A_490 = vector.shape_cast %add3A_484 : vector<32x1024xf32> to vector<1x32x1024xf32>
    tpu.vector_store %arg5[%swap3A_485, %swap3A_486, %swap3A_487], %swap3A_490 {strides = array<i32>} : memref<10x32x4096xf32, #tpu.memory_space<vmem>>, vector<1x32x1024xf32>,
    %slice3A_491 = vector.extract_strided_slice %get3A_468 {offsets = [0, 64], sizes = [1024, 32], strides = [1, 1]} : vector<1024x128xf32> to vector<1024x32xf32>
    %dot_general3A_492 = arith.constant dense<0.000000e+00> : vector<32x1024xf32>
    %dot_general3A_493 = tpu.matmul %convert_element_type3A_3, %slice3A_491, %dot_general3A_492 {dimension_numbers = #tpu.dot_dimension_numbers<[1], [1], [0], [0], [0, 0, 1, 0], [], []>, transpose_lhs_hint = false} : vector<32x32xf32>, vector<1024x32xf32>, vector<32x1024xf32> -> vector<32x1024xf32>
    %slice3A_494 = vector.extract_strided_slice %dot_general3A_465 {offsets = [0, 2048], sizes = [32, 1024], strides = [1, 1]} : vector<32x4096xf32> to vector<32x1024xf32>
    %add3A_495 = arith.addf %slice3A_494, %dot_general3A_493 : vector<32x1024xf32>
    %swap3A_496 = arith.constant 8 : index
    %swap3A_497 = arith.constant 0 : index
    %swap3A_498 = arith.constant 2048 : index
    %swap3A_499 = vector.load %arg5[%swap3A_496, %swap3A_497, %swap3A_498] : memref<10x32x4096xf32, #tpu.memory_space<vmem>>, vector<1x32x1024xf32>
    %swap3A_500 = vector.shape_cast %swap3A_499 : vector<1x32x1024xf32> to vector<32x1024xf32>
    %swap3A_501 = vector.shape_cast %add3A_495 : vector<32x1024xf32> to vector<1x32x1024xf32>
    tpu.vector_store %arg5[%swap3A_496, %swap3A_497, %swap3A_498], %swap3A_501 {strides = array<i32>} : memref<10x32x4096xf32, #tpu.memory_space<vmem>>, vector<1x32x1024xf32>,
    %slice3A_502 = vector.extract_strided_slice %get3A_468 {offsets = [0, 96], sizes = [1024, 32], strides = [1, 1]} : vector<1024x128xf32> to vector<1024x32xf32>
    %dot_general3A_503 = arith.constant dense<0.000000e+00> : vector<32x1024xf32>
    %dot_general3A_504 = tpu.matmul %convert_element_type3A_3, %slice3A_502, %dot_general3A_503 {dimension_numbers = #tpu.dot_dimension_numbers<[1], [1], [0], [0], [0, 0, 1, 0], [], []>, transpose_lhs_hint = false} : vector<32x32xf32>, vector<1024x32xf32>, vector<32x1024xf32> -> vector<32x1024xf32>
    %slice3A_505 = vector.extract_strided_slice %dot_general3A_465 {offsets = [0, 3072], sizes = [32, 1024], strides = [1, 1]} : vector<32x4096xf32> to vector<32x1024xf32>
    %add3A_506 = arith.addf %slice3A_505, %dot_general3A_504 : vector<32x1024xf32>
    %swap3A_507 = arith.constant 8 : index
    %swap3A_508 = arith.constant 0 : index
    %swap3A_509 = arith.constant 3072 : index
    %swap3A_510 = vector.load %arg5[%swap3A_507, %swap3A_508, %swap3A_509] : memref<10x32x4096xf32, #tpu.memory_space<vmem>>, vector<1x32x1024xf32>
    %swap3A_511 = vector.shape_cast %swap3A_510 : vector<1x32x1024xf32> to vector<32x1024xf32>
    %swap3A_512 = vector.shape_cast %add3A_506 : vector<32x1024xf32> to vector<1x32x1024xf32>
    tpu.vector_store %arg5[%swap3A_507, %swap3A_508, %swap3A_509], %swap3A_512 {strides = array<i32>} : memref<10x32x4096xf32, #tpu.memory_space<vmem>>, vector<1x32x1024xf32>,
    %get3A_513 = arith.constant 9 : index
    %get3A_514 = arith.constant 0 : index
    %get3A_515 = arith.constant 0 : index
    %get3A_516 = vector.load %arg2[%get3A_513, %get3A_514, %get3A_515] : memref<10x64x4096xf32, #tpu.memory_space<vmem>>, vector<1x64x4096xf32>
    %get3A_517 = vector.shape_cast %get3A_516 : vector<1x64x4096xf32> to vector<64x4096xf32>
    %get3A_518 = arith.constant 0 : index
    %get3A_519 = arith.constant 0 : index
    %get3A_520 = vector.load %arg4[%get3A_518, %get3A_519] : memref<64x32xf32, #tpu.memory_space<vmem>>, vector<64x32xf32>
    %dot_general3A_521 = arith.constant dense<0.000000e+00> : vector<32x4096xf32>
    %dot_general3A_522 = tpu.matmul %get3A_520, %get3A_517, %dot_general3A_521 {dimension_numbers = #tpu.dot_dimension_numbers<[0], [0], [1], [1], [0, 1, 1, 1], [], []>, transpose_lhs_hint = true} : vector<64x32xf32>, vector<64x4096xf32>, vector<32x4096xf32> -> vector<32x4096xf32>
    %get3A_523 = arith.constant 9216 : index
    %get3A_524 = arith.constant 0 : index
    %get3A_525 = vector.load %arg3[%get3A_523, %get3A_524] : memref<10240x128xf32, #tpu.memory_space<vmem>>, vector<1024x128xf32>
    %slice3A_526 = vector.extract_strided_slice %get3A_525 {offsets = [0, 0], sizes = [1024, 32], strides = [1, 1]} : vector<1024x128xf32> to vector<1024x32xf32>
    %dot_general3A_527 = arith.constant dense<0.000000e+00> : vector<32x1024xf32>
    %dot_general3A_528 = tpu.matmul %convert_element_type3A_3, %slice3A_526, %dot_general3A_527 {dimension_numbers = #tpu.dot_dimension_numbers<[1], [1], [0], [0], [0, 0, 1, 0], [], []>, transpose_lhs_hint = false} : vector<32x32xf32>, vector<1024x32xf32>, vector<32x1024xf32> -> vector<32x1024xf32>
    %slice3A_529 = vector.extract_strided_slice %dot_general3A_522 {offsets = [0, 0], sizes = [32, 1024], strides = [1, 1]} : vector<32x4096xf32> to vector<32x1024xf32>
    %add3A_530 = arith.addf %slice3A_529, %dot_general3A_528 : vector<32x1024xf32>
    %swap3A_531 = arith.constant 9 : index
    %swap3A_532 = arith.constant 0 : index
    %swap3A_533 = arith.constant 0 : index
    %swap3A_534 = vector.load %arg5[%swap3A_531, %swap3A_532, %swap3A_533] : memref<10x32x4096xf32, #tpu.memory_space<vmem>>, vector<1x32x1024xf32>
    %swap3A_535 = vector.shape_cast %swap3A_534 : vector<1x32x1024xf32> to vector<32x1024xf32>
    %swap3A_536 = vector.shape_cast %add3A_530 : vector<32x1024xf32> to vector<1x32x1024xf32>
    tpu.vector_store %arg5[%swap3A_531, %swap3A_532, %swap3A_533], %swap3A_536 {strides = array<i32>} : memref<10x32x4096xf32, #tpu.memory_space<vmem>>, vector<1x32x1024xf32>,
    %slice3A_537 = vector.extract_strided_slice %get3A_525 {offsets = [0, 32], sizes = [1024, 32], strides = [1, 1]} : vector<1024x128xf32> to vector<1024x32xf32>
    %dot_general3A_538 = arith.constant dense<0.000000e+00> : vector<32x1024xf32>
    %dot_general3A_539 = tpu.matmul %convert_element_type3A_3, %slice3A_537, %dot_general3A_538 {dimension_numbers = #tpu.dot_dimension_numbers<[1], [1], [0], [0], [0, 0, 1, 0], [], []>, transpose_lhs_hint = false} : vector<32x32xf32>, vector<1024x32xf32>, vector<32x1024xf32> -> vector<32x1024xf32>
    %slice3A_540 = vector.extract_strided_slice %dot_general3A_522 {offsets = [0, 1024], sizes = [32, 1024], strides = [1, 1]} : vector<32x4096xf32> to vector<32x1024xf32>
    %add3A_541 = arith.addf %slice3A_540, %dot_general3A_539 : vector<32x1024xf32>
    %swap3A_542 = arith.constant 9 : index
    %swap3A_543 = arith.constant 0 : index
    %swap3A_544 = arith.constant 1024 : index
    %swap3A_545 = vector.load %arg5[%swap3A_542, %swap3A_543, %swap3A_544] : memref<10x32x4096xf32, #tpu.memory_space<vmem>>, vector<1x32x1024xf32>
    %swap3A_546 = vector.shape_cast %swap3A_545 : vector<1x32x1024xf32> to vector<32x1024xf32>
    %swap3A_547 = vector.shape_cast %add3A_541 : vector<32x1024xf32> to vector<1x32x1024xf32>
    tpu.vector_store %arg5[%swap3A_542, %swap3A_543, %swap3A_544], %swap3A_547 {strides = array<i32>} : memref<10x32x4096xf32, #tpu.memory_space<vmem>>, vector<1x32x1024xf32>,
    %slice3A_548 = vector.extract_strided_slice %get3A_525 {offsets = [0, 64], sizes = [1024, 32], strides = [1, 1]} : vector<1024x128xf32> to vector<1024x32xf32>
    %dot_general3A_549 = arith.constant dense<0.000000e+00> : vector<32x1024xf32>
    %dot_general3A_550 = tpu.matmul %convert_element_type3A_3, %slice3A_548, %dot_general3A_549 {dimension_numbers = #tpu.dot_dimension_numbers<[1], [1], [0], [0], [0, 0, 1, 0], [], []>, transpose_lhs_hint = false} : vector<32x32xf32>, vector<1024x32xf32>, vector<32x1024xf32> -> vector<32x1024xf32>
    %slice3A_551 = vector.extract_strided_slice %dot_general3A_522 {offsets = [0, 2048], sizes = [32, 1024], strides = [1, 1]} : vector<32x4096xf32> to vector<32x1024xf32>
    %add3A_552 = arith.addf %slice3A_551, %dot_general3A_550 : vector<32x1024xf32>
    %swap3A_553 = arith.constant 9 : index
    %swap3A_554 = arith.constant 0 : index
    %swap3A_555 = arith.constant 2048 : index
    %swap3A_556 = vector.load %arg5[%swap3A_553, %swap3A_554, %swap3A_555] : memref<10x32x4096xf32, #tpu.memory_space<vmem>>, vector<1x32x1024xf32>
    %swap3A_557 = vector.shape_cast %swap3A_556 : vector<1x32x1024xf32> to vector<32x1024xf32>
    %swap3A_558 = vector.shape_cast %add3A_552 : vector<32x1024xf32> to vector<1x32x1024xf32>
    tpu.vector_store %arg5[%swap3A_553, %swap3A_554, %swap3A_555], %swap3A_558 {strides = array<i32>} : memref<10x32x4096xf32, #tpu.memory_space<vmem>>, vector<1x32x1024xf32>,
    %slice3A_559 = vector.extract_strided_slice %get3A_525 {offsets = [0, 96], sizes = [1024, 32], strides = [1, 1]} : vector<1024x128xf32> to vector<1024x32xf32>
    %dot_general3A_560 = arith.constant dense<0.000000e+00> : vector<32x1024xf32>
    %dot_general3A_561 = tpu.matmul %convert_element_type3A_3, %slice3A_559, %dot_general3A_560 {dimension_numbers = #tpu.dot_dimension_numbers<[1], [1], [0], [0], [0, 0, 1, 0], [], []>, transpose_lhs_hint = false} : vector<32x32xf32>, vector<1024x32xf32>, vector<32x1024xf32> -> vector<32x1024xf32>
    %slice3A_562 = vector.extract_strided_slice %dot_general3A_522 {offsets = [0, 3072], sizes = [32, 1024], strides = [1, 1]} : vector<32x4096xf32> to vector<32x1024xf32>
    %add3A_563 = arith.addf %slice3A_562, %dot_general3A_561 : vector<32x1024xf32>
    %swap3A_564 = arith.constant 9 : index
    %swap3A_565 = arith.constant 0 : index
    %swap3A_566 = arith.constant 3072 : index
    %swap3A_567 = vector.load %arg5[%swap3A_564, %swap3A_565, %swap3A_566] : memref<10x32x4096xf32, #tpu.memory_space<vmem>>, vector<1x32x1024xf32>
    %swap3A_568 = vector.shape_cast %swap3A_567 : vector<1x32x1024xf32> to vector<32x1024xf32>
    %swap3A_569 = vector.shape_cast %add3A_563 : vector<32x1024xf32> to vector<1x32x1024xf32>
    tpu.vector_store %arg5[%swap3A_564, %swap3A_565, %swap3A_566], %swap3A_569 {strides = array<i32>} : memref<10x32x4096xf32, #tpu.memory_space<vmem>>, vector<1x32x1024xf32>,
    return
  }
  func.func @transform_1(%arg0: i32) -> (i32, i32, i32) {
    %add3A = arith.constant 10 : i32
    %add3A_0 = arith.addi %arg0, %add3A : i32
    %c0_i32 = arith.constant 0 : i32
    %c0_i32_1 = arith.constant 0 : i32
    %c0_i32_2 = arith.constant 0 : i32
    return %add3A_0, %c0_i32, %c0_i32_1 : i32, i32, i32
  }
  func.func @transform_2(%arg0: i32) -> (i32, i32) {
    %c0_i32 = arith.constant 0 : i32
    %c0_i32_0 = arith.constant 0 : i32
    return %arg0, %c0_i32 : i32, i32
  }
  func.func @transform_3(%arg0: i32) -> (i32, i32) {
    %c0_i32 = arith.constant 0 : i32
    %c0_i32_0 = arith.constant 0 : i32
    %c0_i32_1 = arith.constant 0 : i32
    return %c0_i32, %c0_i32_0 : i32, i32
  }
  func.func @transform_4(%arg0: i32) -> (i32, i32, i32) {
    %add3A = arith.constant 10 : i32
    %add3A_0 = arith.addi %arg0, %add3A : i32
    %c0_i32 = arith.constant 0 : i32
    %c0_i32_1 = arith.constant 0 : i32
    %c0_i32_2 = arith.constant 0 : i32
    return %add3A_0, %c0_i32, %c0_i32_1 : i32, i32, i32
  }
}

</mosaic_0001>

<sc_bundles>
// kernel: kernel.10.cloned.1.call-start
scs
__scs_entry_jumppad:
0x0: {  	(pc) =	sbr.rel $0x88, $3  }
0x1: {  	(tag) =	ssettag $0x0;
	lr =	simm.s32 $0x1  }
0x2: {  	[smem:$0x3F9D] =	sst lr;
	_ =	strace $0xD0000000  }
0x3: {  	_ = 	snop  }
0x4: {  	_ = 	snop  }
0x5: {  	_ = 	snop  }
0x6: {  	_ = 	snop  }
0x7: {  	_ = 	snop  }
__scs_overlays_trampoline_lowered:
0x8: {  	[smem:$0x3FAC] =	sst s0  }
0x9: {  	[smem:$0x3FAD] =	sst s1  }
0xa: {  	[smem:$0x3FAE] =	sst s2  }
0xb: {  	[smem:$0x3FAF] =	sst s3  }
0xc: {  	[smem:$0x3FB0] =	sst s4  }
0xd: {  	[smem:$0x3FB1] =	sst s5  }
0xe: {  	[smem:$0x3FB2] =	sst s6  }
0xf: {  	[smem:$0x3FB3] =	sst s7  }
0x10: {  	[smem:$0x3FB4] =	sst s8  }
0x11: {  	[smem:$0x3FB5] =	sst s9;
	s0 =	simm.s32 @!p0 $0x0  }
0x12: {  	s1 =	sld [smem:$0x3F9B];
	s0 =	simm.s32 @p0 $0x1  }
0x13: {  	[smem:$0x3FB6] =	sst s0;
	s0 =	simm.s32 @!p1 $0x0  }
0x14: {  	s2 =	sld [smem:$0x3F9A];
	s0 =	simm.s32 @p1 $0x1  }
0x15: {  	[smem:$0x3FB7] =	sst s0;
	s0 =	simm.s32 @!p2 $0x0  }
0x16: {  	s3 =	sld [smem:$0x3FDB];
	s0 =	simm.s32 @p2 $0x1  }
0x17: {  	s4 =	simm.s32 $0x1BF5;
	[smem:$0x3FB9] =	sst s0  }
0x18: {  	s0 =	sld [smem:$0x3F9C];
	_ =	swait.ge [sflag:s4], $0x0  }
0x19: {  	s7 =	sld [smem:$0x3F9D]  }
0x1a: {  	s8 =	sadd.s32 $0xFFFFE003, lr  }
0x1b: {  	s9 =	sadd.s32 $0xFFFFFEF7, lr;
	s5 =	simm.s32 $0xFFFFFFFF;
	p2 =	slt.u32 s8, $0xFFFFF086  }
0x1c: {  	p1 =	slt.u32 s9, $0xF7A;
	s5 =	simm.s32 @!p2 $0x0  }
0x1d: {  	s5 =	simm.s32 @p1 $0x1;
	p0 =	seq.s32 s7, s2  }
0x1e: {  	s7 =	smul.u32 @!p0 $0xF7A, s2;
	p2 =	seq.s32 @!p0 s5, $0x0  }
0x1f: {  	s9 =	smul.u32 $0xF7A, s1;
	s8 =	simm.s32 @!p0 $0x1BF5;
	p2 =	por !p2, p0  }
0x20: {  	[sflag:s8] =	ssyncset.s32 @!p0 $0xFFFFF086;
	s6 =	sadd.s32 @!p0 s3, s7;
	s7 =	simm.s32 @!p0 $0x108  }
0x21: {  	s3 =	sadd.s32 s3, s9;
	s6 =	sadd.s32 @!p0 $0x88, s6;
	s7 =	simm.s32 @p2 $0x1082  }
0x22: {  	[simem:s7], [sflag:s8] =	dma.local @!p0 [hbm:s6], $0xF7A  }
0x23: {  	s9 =	sor.u32 $0xD0000000, s2;
	s6 =	simm.s32 $0x108;
	_ =	swait.ge @!p0 [sflag:s8], $0x0  }
0x24: {  	s3 =	sadd.s32 $0x88, s3;
	s6 =	simm.s32 @!p1 $0x1082;
	[sflag:s4] =	ssyncset.s32 $0xFFFFF086  }
0x25: {  	[simem:s6], [sflag:s4] =	dma.local [hbm:s3], $0xF7A  }
0x26: {  	[smem:$0x3F9D] =	sst s1;
	(tag) =	ssettag s2;
	_ =	strace s9  }
0x27: {  	s1 =	sld [smem:$0x3FAD]  }
0x28: {  	s2 =	sld [smem:$0x3FAE]  }
0x29: {  	s4 =	sld [smem:$0x3FB0]  }
0x2a: {  	p0 =	seq.s32 s5, $0x0;
	s5 =	sld [smem:$0x3FB1]  }
0x2b: {  	s6 =	sld [smem:$0x3FB2]  }
0x2c: {  	s7 =	sld [smem:$0x3FB3]  }
0x2d: {  	s3 =	simm.s32 $0x108;
	s8 =	sld [smem:$0x3FB4]  }
0x2e: {  	s3 =	simm.s32 @!p0 $0x1082;
	s9 =	sld [smem:$0x3FB5]  }
0x2f: {  	lr =	sadd.s32 s0, s3;
	s0 =	sld [smem:$0x3FAC]  }
0x30: {  	s3 =	sld [smem:$0x3FAF]  }
0x31: {  	[smem:$0x3FB8] =	sst s10  }
0x32: {  	s10 =	sld [smem:$0x3FB6];
	_ =	sdelay $0x3  }
0x33: {  	p0 =	seq.s32 s10, $0x1;
	s10 =	sld [smem:$0x3FB8];
	_ =	sdelay $0x3  }
0x34: {  	[smem:$0x3FB8] =	sst s10  }
0x35: {  	s10 =	sld [smem:$0x3FB7];
	_ =	sdelay $0x3  }
0x36: {  	p1 =	seq.s32 s10, $0x1;
	s10 =	sld [smem:$0x3FB8];
	_ =	sdelay $0x3  }
0x37: {  	[smem:$0x3FB8] =	sst s10  }
0x38: {  	s10 =	sld [smem:$0x3FB9]  }
0x39: {  	_ = 	snop;
	(pc) =	sbr.ind lr, $3  }
0x3a: {  	_ = 	snop  }
0x3b: {  	_ = 	snop  }
0x3c: {  	p2 =	seq.s32 s10, $0x1;
	s10 =	sld [smem:$0x3FB8]  }
0x3d: {  	_ =	shalt  }
0x3e: {  	_ =	shalt  }
0x3f: {  	_ =	shalt  }
0x40: {  	_ =	shalt  }
0x41: {  	_ =	shalt  }
0x42: {  	_ =	shalt  }
0x43: {  	_ =	shalt  }
0x44: {  	_ =	shalt  }
0x45: {  	_ =	shalt  }
0x46: {  	_ =	shalt  }
0x47: {  	_ =	shalt  }
0x48: {  	_ =	shalt  }
0x49: {  	_ =	shalt  }
0x4a: {  	_ =	shalt  }
0x4b: {  	_ =	shalt  }
0x4c: {  	_ =	shalt  }
0x4d: {  	_ =	shalt  }
0x4e: {  	_ =	shalt  }
0x4f: {  	_ =	shalt  }
0x50: {  	_ =	shalt  }
0x51: {  	_ =	shalt  }
0x52: {  	_ =	shalt  }
0x53: {  	_ =	shalt  }
0x54: {  	_ =	shalt  }
0x55: {  	_ =	shalt  }
0x56: {  	_ =	shalt  }
0x57: {  	_ =	shalt  }
0x58: {  	_ =	shalt  }
0x59: {  	_ =	shalt  }
0x5a: {  	_ =	shalt  }
0x5b: {  	_ =	shalt  }
0x5c: {  	_ =	shalt  }
0x5d: {  	_ =	shalt  }
0x5e: {  	_ =	shalt  }
0x5f: {  	_ =	shalt  }
0x60: {  	_ =	shalt  }
0x61: {  	_ =	shalt  }
0x62: {  	_ =	shalt  }
0x63: {  	_ =	shalt  }
0x64: {  	_ =	shalt  }
0x65: {  	_ =	shalt  }
0x66: {  	_ =	shalt  }
0x67: {  	_ =	shalt  }
0x68: {  	_ =	shalt  }
0x69: {  	_ =	shalt  }
0x6a: {  	_ =	shalt  }
0x6b: {  	_ =	shalt  }
0x6c: {  	_ =	shalt  }
0x6d: {  	_ =	shalt  }
0x6e: {  	_ =	shalt  }
0x6f: {  	_ =	shalt  }
0x70: {  	_ =	shalt  }
0x71: {  	_ =	shalt  }
0x72: {  	_ =	shalt  }
0x73: {  	_ =	shalt  }
0x74: {  	_ =	shalt  }
0x75: {  	_ =	shalt  }
0x76: {  	_ =	shalt  }
0x77: {  	_ =	shalt  }
0x78: {  	_ =	shalt  }
0x79: {  	_ =	shalt  }
0x7a: {  	_ =	shalt  }
0x7b: {  	_ =	shalt  }
0x7c: {  	_ =	shalt  }
0x7d: {  	_ =	shalt  }
0x7e: {  	_ =	shalt  }
0x7f: {  	_ =	shalt  }
0x80: {  	_ =	shalt  }
0x81: {  	_ =	shalt  }
0x82: {  	_ =	shalt  }
0x83: {  	_ =	shalt  }
0x84: {  	_ =	shalt  }
0x85: {  	_ =	shalt  }
0x86: {  	_ =	shalt  }
0x87: {  	_ =	shalt  }
.Lfunc_end0:
.L_simem_size_0:
called_computation.1_lowered:
.L_overlay_start_0:
0x88: {  	s2 =	sld [smem:$0x3FD9]  }
0x89: {  	s3 =	sld [smem:$0x3FFE];
	_ =	sdelay $0x1  }
0x8a: {  	s1 =	srdreg.scid  }
0x8b: {  	s0 =	sand.u32 $0x1, s1  }
0x8c: {  	s17 =	sshll.u32 s0, $0xA;
	s2 =	sadd.s32 s3, s2  }
0x8d: {  	s2 =	sadd.s32 s2, s17  }
0x8e: {  	[smem:$0x3FC4] =	sst s2  }
0x8f: {  	_ = 	snop  }
0x90: {  	(tm) =	ssettm $0x1  }
0x91: {  	s18 =	sld [smem:$0x3FFB];
	_ =	sdelay $0x3  }
0x92: {  	_ =	strace s18  }
0x93: {  	s2 =	sld [smem:$0x3FFC];
	_ =	sdelay $0x3  }
0x94: {  	_ =	strace s2  }
0x95: {  	s2 =	sld [smem:$0x3FFD];
	_ =	sdelay $0x3  }
0x96: {  	_ =	strace s2  }
0x97: {  	_ =	strace $0x8FFFFFFF  }
0x98: {  	s19 =	sld [smem:$0x3FDB];
	_ =	sdelay $0x1  }
0x99: {  	s20 =	simm.s32 $_scs_section_size  }
0x9a: {  	s4 =	simm.s32 $_size__tile_overlayer_lowered;
	s5 =	simm.s32 $_tile_overlayer_lowered  }
0x9b: {  	s6 =	simm.s32 $0x1BFF;
	s21 =	sshll.u32 s5, $0x1;
	s3 =	sadd.s32 s20, s19  }
0x9c: {  	s22 =	simm.s32 $0x0;
	s4 =	sshll.u32 s4, $0x1;
	s5 =	sadd.s32 s21, s3  }
0x9d: {  	[timem:s22], [sflag:s6] =	dma.local [hbm:s5], s4  }
0x9e: {  	_ =	swait.ge [sflag:s6], s4  }
0x9f: {  	s4 =	ssub.s32 $0x0, s4;
	[sflag:s6] =	ssyncset.done $0x0  }
0xa0: {  	[sflag:s6] =	ssyncadd.s32 s4;
	_ =	sdelay $0x1  }
0xa1: {  	s23 =	simm.s32 $0x1B8B  }
0xa2: {  	_ =	swait.ge [sflag:s23], $0x1  }
0xa3: {  	[sflag:s23] =	ssyncset.done $0x0  }
0xa4: {  	[sflag:s23] =	ssyncadd.s32 $0xFFFFFFFF  }
0xa5: {  	s4 =	sld [smem:$0x0]  }
0xa6: {  	s5 =	sand.u32 $0xFFFFFFFE, s1  }
0xa7: {  	p0 =	sne.s32 s1, s5  }
0xa8: {  	s5 =	sshll.u32 @p0 s5, $0xE  }
0xa9: {  	s5 =	sadd.s32 @p0 $0x11B8D, s5;
	s6 =	sshll.u32 @p0 s4, $0x11  }
0xaa: {  	s5 =	sor.u32 @p0 s6, s5  }
0xab: {  	[sflag:s5] =	ssyncadd.remote.s32 @p0 $0x1;
	_ =	sdelay $0x1  }
0xac: {  	s5 =	simm.s32 @p0 $0x1B8D  }
0xad: {  	_ =	swait.eq @p0 [sflag:s5], $0x1  }
0xae: {  	[sflag:s5] =	ssyncadd.s32 @p0 $0xFFFFFFFF  }
0xaf: {  	s6 =	sshll.u32 @!p0 s1, $0xE  }
0xb0: {  	s6 =	sor.u32 @!p0 $0x4000, s6;
	s5 =	simm.s32 @!p0 $0x1B8D  }
0xb1: {  	s4 =	sshll.u32 @!p0 s4, $0x11;
	s6 =	sadd.s32 @!p0 $0x11B8D, s6;
	_ =	swait.eq @!p0 [sflag:s5], $0x1  }
0xb2: {  	s4 =	sor.u32 @!p0 s4, s6;
	[sflag:s5] =	ssyncadd.s32 @!p0 $0xFFFFFFFF  }
0xb3: {  	s25 =	simm.s32 $0x1B8E;
	s24 =	sld [smem:$0x3FFE];
	[sflag:s4] =	ssyncadd.remote.s32 @!p0 $0x1  }
0xb4: {  	s26 =	simm.s32 $execute0_lowered;
	[smem:$0x3FD2] =	sst s25  }
0xb5: {  	s5 =	sshll.u32 s26, $0x1;
	_ =	strace $0x80000049;
	[dreg:$0x1] =	wrdreg $0xFFFFFFFF  }
0xb6: {  	s28 =	simm.s32 $_size_execute0_lowered;
	s3 =	sadd.s32 s3, s5;
	[dreg:$0x0] =	wrdreg $0x0  }
0xb7: {  	s5 =	sshll.u32 s28, $0x1;
	[dreg:$0x2] =	wrdreg s3  }
0xb8: {  	[dreg:$0x3] =	wrdreg s5  }
0xb9: {  	[dreg:$0x4] =	wrdreg $0xC0  }
0xba: {  	_ =	task [dreg:s22], $0x5FFFF  }
0xbb: {  	[dreg:$0x1] =	wrdreg $0xFFFFFFFF  }
0xbc: {  	[dreg:$0x0] =	wrdreg $0x60  }
0xbd: {  	[dreg:$0x2] =	wrdreg s24  }
0xbe: {  	[dreg:$0x3] =	wrdreg $0xA  }
0xbf: {  	_ =	task.clear_ibuf [dreg:s22], $0x4FFFF;
	_ =	strace $0x90000049  }
0xc0: {  	s29 =	simm.s32 $0xA;
	_ =	strace $0x8000004B  }
0xc1: {  	_ =	swait.ge [sflag:s29], $0x1  }
0xc2: {  	[sflag:s29] =	ssyncadd.s32 $0xFFFFFFFF  }
0xc3: {  	_ =	strace $0x9000004B  }
0xc4: {  	_ =	sfence  }
0xc5: {  	s30 =	sld [smem:$0x0];
	_ =	sdelay $0x2  }
0xc6: {  	s31 =	sshll.u32 s1, $0xD;
	s1 =	sshrl.u32 s1, $0x2  }
0xc7: {  	s4 =	sand.u32 $0x4000, s31;
	s1 =	sadd.s32 s1, s30  }
0xc8: {  	s0 =	sor.u32 s4, s0;
	s1 =	sshll.u32 s1, $0x11  }
0xc9: {  	s0 =	sor.u32 s1, s0  }
0xca: {  	s0 =	sadd.s32 $0x8F2B, s0  }
0xcb: {  	[sflag:s0] =	ssyncadd.remote.s32 $0x1  }
0xcc: {  	_ =	sfence.sel $0xFFFF  }
0xcd: {  	[dreg:$0x0] =	wrdreg $0xFFFFFFFF;
	(pc) =	sbr.abs _section_cstart, $3  }
0xce: {  	[dreg:$0x1] =	wrdreg $0xFFFFFFFF  }
0xcf: {  	_ =	task.clear_ibuf [dreg:s22], $0x2FFFF;
	_ =	strace $0x9FFFFFFF  }
0xd0: {  	(tm) =	ssettm $0x7FFFFFFF  }
0xd1: {  	_ =	shalt  }
tec
execute0_lowered:
.L_overlay_start_1:
0x0: {  	(tag) =	ssettag $0x1  }
0x1: {  	s1 =	srdreg.scid  }
0x2: {  	s0 =	stileid.u32;
	s6 =	rddreg [dreg:$0x0];
	s2 =	simm.s32 $0x0  }
0x3: {  	s11 =	simm.s32 $0x200;
	s12 =	simm.s32 $0x3200;
	s13 =	simm.s32 $0x1  }
0x4: {  	s14 =	simm.s32 $0x20;
	s15 =	simm.s32 $0x80;
	s16 =	simm.s32 $0x0  }
0x5: {  	s5 =	sand.u32 $0x1, s1;
	s28 =	sshll.u32 s0, $0x1;
	s1 =	rddreg [dreg:$0x1]  }
0x6: {  	[smem:$0x7FF] =	sst s2;
	s8 =	smul.u32 $0x6400, s0;
	s4 =	sadd.s32 $0x589A00, s6  }
0x7: {  	s3 =	sor.u32 s5, s28;
	s9 =	smul.u32 $0x3200, s5;
	s5 =	ssub.s32 $0x2, s5  }
0x8: {  	_ =	strace $0x8000004A;
	s7 =	smul.u32 $0x3200, s3;
	s10 =	sshrl.u32 s5, $0x1  }
0x9: {  	s3 =	sadd.s32 $0x19A00, s6;
	s8 =	sadd.s32 s9, s8;
	s29 =	ssub.s32 s5, s10  }
0xa: {  	s10 =	simm.s32 $0x2;
	s7 =	sshrl.u32 s7, $0x3;
	s31 =	sadd.s32 $0x64000, s8  }
0xb: {  	s30 =	sadd.s32 s6, s7;
	s6 =	smax.u32 s29, $0x1;
	s7 =	sshll.u32 s31, $0x5  }
0xc: {  	s8 =	sshrl.u32 s31, $0x5;
	s9 =	sshll.u32 s31, $0x7;
	s5 =	sadd.s32 $0xD200, s30  }
.LBB2_1:
0xd: {  	[tilespmem:s2], [sflag:$0x2] =	stream.linear.gather [hbm4b:s5+s2], $0x3200, $0x38;
	[tilespmem:$0x7200] =	vst v63  }
0xe: {  	s17 =	sand.u32 $0x7FFE0000, s7;
	s18 =	sand.u32 $0x10000, s9;
	s19 =	sadd.s32 $0x0, s8  }
0xf: {  	s17 =	sor.u32 s18, s17;
	s30 =	sand.u32 $0x60, s19  }
0x10: {  	s20 =	sadd.s32 $0x10000, s9;
	_ =	swait.ge [sflag:s10], $0x3200;
	s17 =	sor.u32 s30, s17  }
0x11: {  	s18 =	simm.s32 $0x200;
	[sflag:s10] =	ssyncset.done $0x0;
	s17 =	sadd.s32 $0xFF380000, s17  }
0x12: {  	s19 =	sadd.s32 $0x4000, s7;
	[sflag:s10] =	ssyncadd.s32 $0xFFFFCE00;
	s31 =	sshrl.u32 s17, $0x3  }
0x13: {  	[tilespmem:s12], [sflag:$0x1] =	stream.indirect.gather [hbm4b:s3+s11], $0x20, s2, s11, $0xb8;
	[tilespmem:$0x7200] =	vst v63  }
0x14: {  	s17 =	simm.s32 $0x10;
	s21 =	sadd.s32 s4, s31;
	_ =	swait.ge [sflag:s13], $0x4000  }
.LBB2_2:
0x15: {  	s22 =	sand.u32 $0x7FFE0000, s19;
	s23 =	sand.u32 $0x10000, s20;
	[sflag:s13] =	ssyncset.done $0x0  }
0x16: {  	s22 =	sor.u32 s23, s22;
	s23 =	sadd.s32 s17, s8;
	[sflag:s13] =	ssyncadd.s32 $0xFFFFC000  }
0x17: {  	[hbm4b:s21+s14] =	stream.strided.scatter [tilespmem:s12], [sflag:$0x2], $0x4000, s15, s14, $0x38;
	[tilespmem:$0x7200] =	vst v63  }
0x18: {  	p0 =	sne.s32 s17, $0x180;
	s21 =	sand.u32 $0x60, s23;
	_ =	swait.ge [sflag:s10], $0x4000  }
0x19: {  	s17 =	sadd.s32 $0x10, s17;
	s21 =	sor.u32 s21, s22;
	[sflag:s10] =	ssyncset.done $0x0  }
.Ltmp0:
0x1a: {  	s21 =	sadd.s32 $0xFF380000, s21;
	[sflag:s10] =	ssyncadd.s32 $0xFFFFC000;
	(pc) =	sbr.rel @p0 .LBB2_2-.Ltmp0, $4  }
0x1b: {  	s22 =	smov.u32 s18;
	s21 =	sshrl.u32 s21, $0x3  }
0x1c: {  	s18 =	sadd.s32 $0x200, s18;
	s21 =	sadd.s32 s4, s21  }
0x1d: {  	[tilespmem:s12], [sflag:$0x1] =	stream.indirect.gather [hbm4b:s3+s11], $0x20, s22, s11, $0xb8;
	[tilespmem:$0x7200] =	vst v63  }
0x1e: {  	s19 =	sadd.s32 $0x4000, s19;
	s20 =	sadd.s32 $0x10000, s20;
	_ =	swait.ge [sflag:s13], $0x4000  }
0x1f: {  	s16 =	sadd.s32 $0x1, s16  }
0x20: {  	[sflag:s13] =	ssyncset.done $0x0;
	p0 =	sne.s32 s16, s6  }
.Ltmp1:
0x21: {  	[sflag:s13] =	ssyncadd.s32 $0xFFFFC000;
	(pc) =	sbr.rel @p0 .LBB2_1-.Ltmp1, $4  }
0x22: {  	[hbm4b:s21+s14] =	stream.strided.scatter [tilespmem:s12], [sflag:$0x2], $0x4000, s15, s14, $0x38;
	[tilespmem:$0x7200] =	vst v63  }
0x23: {  	_ =	swait.ge [sflag:s10], $0x4000  }
0x24: {  	[sflag:s10] =	ssyncset.done $0x0  }
0x25: {  	[sflag:s10] =	ssyncadd.s32 $0xFFFFC000  }
0x26: {  	_ =	sfence.sel $0x180000  }
0x27: {  	[bflag:$0x0] =	sbarrier.arrive $0xFFFF  }
0x28: {  	p0 =	sne.s32 s0, $0x0;
	_ =	strace $0x9000004A  }
0x29: {  	s0 =	sadd.s32 @!p0 $0x100000, s1;
	[bflag:$0x2] =	sbarrier.arrive $0xFFFF  }
0x2a: {  	[sflag:s0] =	ssyncadd.tile.s32 @!p0 $0x1;
	_ =	shalt  }
.Lfunc_end2:
_tile_overlayer_lowered:
.L_overlay_start_2:
0x2b: {  	(tag) =	ssettag $0x2  }
0x2c: {  	s0 =	rddreg [dreg:$0x0];
	s2 =	stileid.u32  }
0x2d: {  	s1 =	rddreg [dreg:$0x1];
	p0 =	sne.s32 s2, $0x0  }
0x2e: {  	s3 =	rddreg [dreg:$0x2];
	[bflag:$0x3] =	sbarrier.arrive $0xFFFF;
	s2 =	simm.s32 @!p0 $0x1C02  }
0x2f: {  	[timem:s3], [sflag:s2] =	dma.local @!p0 [hbm:s0], s1  }
0x30: {  	s0 =	simm.s32 @!p0 $0x2  }
0x31: {  	_ =	swait.ge @!p0 [sflag:s0], s1  }
0x32: {  	s1 =	ssub.s32 @!p0 $0x0, s1;
	[sflag:s0] =	ssyncset.done @!p0 $0x0  }
0x33: {  	[sflag:s0] =	ssyncadd.s32 @!p0 s1  }
0x34: {  	[bflag:$0x3] =	sbarrier.arrive $0xFFFF  }
0x35: {  	_ =	shalt  }

// kernel: kernel.7.cloned.1.call-start
scs
__scs_entry_jumppad:
0x0: {  	(pc) =	sbr.rel $0x88, $3  }
0x1: {  	(tag) =	ssettag $0x0;
	lr =	simm.s32 $0x1  }
0x2: {  	[smem:$0x3F9D] =	sst lr;
	_ =	strace $0xD0000000  }
0x3: {  	_ = 	snop  }
0x4: {  	_ = 	snop  }
0x5: {  	_ = 	snop  }
0x6: {  	_ = 	snop  }
0x7: {  	_ = 	snop  }
__scs_overlays_trampoline_lowered:
0x8: {  	[smem:$0x3FAC] =	sst s0  }
0x9: {  	[smem:$0x3FAD] =	sst s1  }
0xa: {  	[smem:$0x3FAE] =	sst s2  }
0xb: {  	[smem:$0x3FAF] =	sst s3  }
0xc: {  	[smem:$0x3FB0] =	sst s4  }
0xd: {  	[smem:$0x3FB1] =	sst s5  }
0xe: {  	[smem:$0x3FB2] =	sst s6  }
0xf: {  	[smem:$0x3FB3] =	sst s7  }
0x10: {  	[smem:$0x3FB4] =	sst s8  }
0x11: {  	[smem:$0x3FB5] =	sst s9;
	s0 =	simm.s32 @!p0 $0x0  }
0x12: {  	s1 =	sld [smem:$0x3F9B];
	s0 =	simm.s32 @p0 $0x1  }
0x13: {  	[smem:$0x3FB6] =	sst s0;
	s0 =	simm.s32 @!p1 $0x0  }
0x14: {  	s2 =	sld [smem:$0x3F9A];
	s0 =	simm.s32 @p1 $0x1  }
0x15: {  	[smem:$0x3FB7] =	sst s0;
	s0 =	simm.s32 @!p2 $0x0  }
0x16: {  	s3 =	sld [smem:$0x3FDB];
	s0 =	simm.s32 @p2 $0x1  }
0x17: {  	s4 =	simm.s32 $0x1BF5;
	[smem:$0x3FB9] =	sst s0  }
0x18: {  	s0 =	sld [smem:$0x3F9C];
	_ =	swait.ge [sflag:s4], $0x0  }
0x19: {  	s7 =	sld [smem:$0x3F9D]  }
0x1a: {  	s8 =	sadd.s32 $0xFFFFE003, lr  }
0x1b: {  	s9 =	sadd.s32 $0xFFFFFEF7, lr;
	s5 =	simm.s32 $0xFFFFFFFF;
	p2 =	slt.u32 s8, $0xFFFFF086  }
0x1c: {  	p1 =	slt.u32 s9, $0xF7A;
	s5 =	simm.s32 @!p2 $0x0  }
0x1d: {  	s5 =	simm.s32 @p1 $0x1;
	p0 =	seq.s32 s7, s2  }
0x1e: {  	s7 =	smul.u32 @!p0 $0xF7A, s2;
	p2 =	seq.s32 @!p0 s5, $0x0  }
0x1f: {  	s9 =	smul.u32 $0xF7A, s1;
	s8 =	simm.s32 @!p0 $0x1BF5;
	p2 =	por !p2, p0  }
0x20: {  	[sflag:s8] =	ssyncset.s32 @!p0 $0xFFFFF086;
	s6 =	sadd.s32 @!p0 s3, s7;
	s7 =	simm.s32 @!p0 $0x108  }
0x21: {  	s3 =	sadd.s32 s3, s9;
	s6 =	sadd.s32 @!p0 $0x88, s6;
	s7 =	simm.s32 @p2 $0x1082  }
0x22: {  	[simem:s7], [sflag:s8] =	dma.local @!p0 [hbm:s6], $0xF7A  }
0x23: {  	s9 =	sor.u32 $0xD0000000, s2;
	s6 =	simm.s32 $0x108;
	_ =	swait.ge @!p0 [sflag:s8], $0x0  }
0x24: {  	s3 =	sadd.s32 $0x88, s3;
	s6 =	simm.s32 @!p1 $0x1082;
	[sflag:s4] =	ssyncset.s32 $0xFFFFF086  }
0x25: {  	[simem:s6], [sflag:s4] =	dma.local [hbm:s3], $0xF7A  }
0x26: {  	[smem:$0x3F9D] =	sst s1;
	(tag) =	ssettag s2;
	_ =	strace s9  }
0x27: {  	s1 =	sld [smem:$0x3FAD]  }
0x28: {  	s2 =	sld [smem:$0x3FAE]  }
0x29: {  	s4 =	sld [smem:$0x3FB0]  }
0x2a: {  	p0 =	seq.s32 s5, $0x0;
	s5 =	sld [smem:$0x3FB1]  }
0x2b: {  	s6 =	sld [smem:$0x3FB2]  }
0x2c: {  	s7 =	sld [smem:$0x3FB3]  }
0x2d: {  	s3 =	simm.s32 $0x108;
	s8 =	sld [smem:$0x3FB4]  }
0x2e: {  	s3 =	simm.s32 @!p0 $0x1082;
	s9 =	sld [smem:$0x3FB5]  }
0x2f: {  	lr =	sadd.s32 s0, s3;
	s0 =	sld [smem:$0x3FAC]  }
0x30: {  	s3 =	sld [smem:$0x3FAF]  }
0x31: {  	[smem:$0x3FB8] =	sst s10  }
0x32: {  	s10 =	sld [smem:$0x3FB6];
	_ =	sdelay $0x3  }
0x33: {  	p0 =	seq.s32 s10, $0x1;
	s10 =	sld [smem:$0x3FB8];
	_ =	sdelay $0x3  }
0x34: {  	[smem:$0x3FB8] =	sst s10  }
0x35: {  	s10 =	sld [smem:$0x3FB7];
	_ =	sdelay $0x3  }
0x36: {  	p1 =	seq.s32 s10, $0x1;
	s10 =	sld [smem:$0x3FB8];
	_ =	sdelay $0x3  }
0x37: {  	[smem:$0x3FB8] =	sst s10  }
0x38: {  	s10 =	sld [smem:$0x3FB9]  }
0x39: {  	_ = 	snop;
	(pc) =	sbr.ind lr, $3  }
0x3a: {  	_ = 	snop  }
0x3b: {  	_ = 	snop  }
0x3c: {  	p2 =	seq.s32 s10, $0x1;
	s10 =	sld [smem:$0x3FB8]  }
0x3d: {  	_ =	shalt  }
0x3e: {  	_ =	shalt  }
0x3f: {  	_ =	shalt  }
0x40: {  	_ =	shalt  }
0x41: {  	_ =	shalt  }
0x42: {  	_ =	shalt  }
0x43: {  	_ =	shalt  }
0x44: {  	_ =	shalt  }
0x45: {  	_ =	shalt  }
0x46: {  	_ =	shalt  }
0x47: {  	_ =	shalt  }
0x48: {  	_ =	shalt  }
0x49: {  	_ =	shalt  }
0x4a: {  	_ =	shalt  }
0x4b: {  	_ =	shalt  }
0x4c: {  	_ =	shalt  }
0x4d: {  	_ =	shalt  }
0x4e: {  	_ =	shalt  }
0x4f: {  	_ =	shalt  }
0x50: {  	_ =	shalt  }
0x51: {  	_ =	shalt  }
0x52: {  	_ =	shalt  }
0x53: {  	_ =	shalt  }
0x54: {  	_ =	shalt  }
0x55: {  	_ =	shalt  }
0x56: {  	_ =	shalt  }
0x57: {  	_ =	shalt  }
0x58: {  	_ =	shalt  }
0x59: {  	_ =	shalt  }
0x5a: {  	_ =	shalt  }
0x5b: {  	_ =	shalt  }
0x5c: {  	_ =	shalt  }
0x5d: {  	_ =	shalt  }
0x5e: {  	_ =	shalt  }
0x5f: {  	_ =	shalt  }
0x60: {  	_ =	shalt  }
0x61: {  	_ =	shalt  }
0x62: {  	_ =	shalt  }
0x63: {  	_ =	shalt  }
0x64: {  	_ =	shalt  }
0x65: {  	_ =	shalt  }
0x66: {  	_ =	shalt  }
0x67: {  	_ =	shalt  }
0x68: {  	_ =	shalt  }
0x69: {  	_ =	shalt  }
0x6a: {  	_ =	shalt  }
0x6b: {  	_ =	shalt  }
0x6c: {  	_ =	shalt  }
0x6d: {  	_ =	shalt  }
0x6e: {  	_ =	shalt  }
0x6f: {  	_ =	shalt  }
0x70: {  	_ =	shalt  }
0x71: {  	_ =	shalt  }
0x72: {  	_ =	shalt  }
0x73: {  	_ =	shalt  }
0x74: {  	_ =	shalt  }
0x75: {  	_ =	shalt  }
0x76: {  	_ =	shalt  }
0x77: {  	_ =	shalt  }
0x78: {  	_ =	shalt  }
0x79: {  	_ =	shalt  }
0x7a: {  	_ =	shalt  }
0x7b: {  	_ =	shalt  }
0x7c: {  	_ =	shalt  }
0x7d: {  	_ =	shalt  }
0x7e: {  	_ =	shalt  }
0x7f: {  	_ =	shalt  }
0x80: {  	_ =	shalt  }
0x81: {  	_ =	shalt  }
0x82: {  	_ =	shalt  }
0x83: {  	_ =	shalt  }
0x84: {  	_ =	shalt  }
0x85: {  	_ =	shalt  }
0x86: {  	_ =	shalt  }
0x87: {  	_ =	shalt  }
.Lfunc_end0:
.L_simem_size_0:
called_computation_lowered:
.L_overlay_start_0:
0x88: {  	s2 =	sld [smem:$0x3FD9]  }
0x89: {  	s3 =	sld [smem:$0x3FFE];
	_ =	sdelay $0x1  }
0x8a: {  	s1 =	srdreg.scid  }
0x8b: {  	s0 =	sand.u32 $0x1, s1  }
0x8c: {  	s16 =	sshll.u32 s0, $0xA;
	s2 =	sadd.s32 s3, s2  }
0x8d: {  	s2 =	sadd.s32 s2, s16  }
0x8e: {  	[smem:$0x3FC4] =	sst s2  }
0x8f: {  	_ = 	snop  }
0x90: {  	(tm) =	ssettm $0x1  }
0x91: {  	s17 =	sld [smem:$0x3FFB];
	_ =	sdelay $0x3  }
0x92: {  	_ =	strace s17  }
0x93: {  	s2 =	sld [smem:$0x3FFC];
	_ =	sdelay $0x3  }
0x94: {  	_ =	strace s2  }
0x95: {  	s2 =	sld [smem:$0x3FFD];
	_ =	sdelay $0x3  }
0x96: {  	_ =	strace s2  }
0x97: {  	_ =	strace $0x8FFFFFFF  }
0x98: {  	s18 =	sld [smem:$0x3FDB];
	_ =	sdelay $0x1  }
0x99: {  	s19 =	simm.s32 $_scs_section_size  }
0x9a: {  	s4 =	simm.s32 $_size__tile_overlayer_lowered;
	s5 =	simm.s32 $_tile_overlayer_lowered  }
0x9b: {  	s22 =	simm.s32 $0x1BFF;
	s21 =	sshll.u32 s5, $0x1;
	s2 =	sadd.s32 s19, s18  }
0x9c: {  	s6 =	simm.s32 $0x0;
	s20 =	sshll.u32 s4, $0x1;
	s4 =	sadd.s32 s21, s2  }
0x9d: {  	[timem:s6], [sflag:s22] =	dma.local [hbm:s4], s20  }
0x9e: {  	_ =	swait.ge [sflag:s22], s20  }
0x9f: {  	s3 =	ssub.s32 $0x0, s20;
	[sflag:s22] =	ssyncset.done $0x0  }
0xa0: {  	[sflag:s22] =	ssyncadd.s32 s3;
	_ =	sdelay $0x1  }
0xa1: {  	s23 =	simm.s32 $0x1B8B  }
0xa2: {  	_ =	swait.ge [sflag:s23], $0x1  }
0xa3: {  	[sflag:s23] =	ssyncset.done $0x0  }
0xa4: {  	s25 =	simm.s32 $0x1B8E;
	s24 =	sld [smem:$0x3FFE];
	[sflag:s23] =	ssyncadd.s32 $0xFFFFFFFF  }
0xa5: {  	s26 =	simm.s32 $execute0_lowered;
	[smem:$0x3FD2] =	sst s25  }
0xa6: {  	s4 =	sshll.u32 s26, $0x1;
	_ =	strace $0x80000046;
	[dreg:$0x1] =	wrdreg $0xFFFFFFFF  }
0xa7: {  	s28 =	simm.s32 $_size_execute0_lowered;
	s2 =	sadd.s32 s2, s4;
	[dreg:$0x0] =	wrdreg $0x0  }
0xa8: {  	s4 =	sshll.u32 s28, $0x1;
	[dreg:$0x2] =	wrdreg s2  }
0xa9: {  	[dreg:$0x3] =	wrdreg s4  }
0xaa: {  	[dreg:$0x4] =	wrdreg $0xC0  }
0xab: {  	_ =	task [dreg:s6], $0x5FFFF  }
0xac: {  	[dreg:$0x1] =	wrdreg $0xFFFFFFFF  }
0xad: {  	[dreg:$0x0] =	wrdreg $0x60  }
0xae: {  	[dreg:$0x2] =	wrdreg s24  }
0xaf: {  	[dreg:$0x3] =	wrdreg $0x9  }
0xb0: {  	_ =	task.clear_ibuf [dreg:s6], $0x4FFFF;
	_ =	strace $0x90000046  }
0xb1: {  	s29 =	simm.s32 $0x9;
	_ =	strace $0x80000048  }
0xb2: {  	_ =	swait.ge [sflag:s29], $0x1  }
0xb3: {  	[sflag:s29] =	ssyncadd.s32 $0xFFFFFFFF  }
0xb4: {  	_ =	strace $0x90000048  }
0xb5: {  	_ =	sfence  }
0xb6: {  	s30 =	sld [smem:$0x0];
	_ =	sdelay $0x2  }
0xb7: {  	s31 =	sshll.u32 s1, $0xD;
	s1 =	sshrl.u32 s1, $0x2  }
0xb8: {  	s3 =	sand.u32 $0x4000, s31;
	s1 =	sadd.s32 s1, s30  }
0xb9: {  	s0 =	sor.u32 s3, s0;
	s1 =	sshll.u32 s1, $0x11  }
0xba: {  	s0 =	sor.u32 s1, s0  }
0xbb: {  	s0 =	sadd.s32 $0x8F2B, s0  }
0xbc: {  	[sflag:s0] =	ssyncadd.remote.s32 $0x1  }
0xbd: {  	_ =	sfence.sel $0xFFFF  }
0xbe: {  	[dreg:$0x0] =	wrdreg $0xFFFFFFFF;
	(pc) =	sbr.abs _section_cstart, $3  }
0xbf: {  	[dreg:$0x1] =	wrdreg $0xFFFFFFFF  }
0xc0: {  	_ =	task.clear_ibuf [dreg:s6], $0x2FFFF;
	_ =	strace $0x9FFFFFFF  }
0xc1: {  	(tm) =	ssettm $0x7FFFFFFF  }
tec
execute0_lowered:
.L_overlay_start_1:
0x0: {  	(tag) =	ssettag $0x1  }
0x1: {  	s1 =	srdreg.scid;
	s0 =	stileid.u32  }
0x2: {  	s4 =	rddreg [dreg:$0x0];
	s7 =	smul.u32 $0xC8000, s0  }
0x3: {  	s2 =	simm.s32 $0x0;
	s14 =	simm.s32 $0x20;
	s9 =	smul.u32 $0x6400, s0  }
0x4: {  	s15 =	simm.s32 $0x80;
	s6 =	sand.u32 $0x1, s1;
	s13 =	smul.u32 $0x320000, s0  }
0x5: {  	s16 =	simm.s32 $0x0;
	s1 =	rddreg [dreg:$0x1];
	s8 =	smul.u32 $0x64000, s6  }
0x6: {  	s29 =	sshll.u32 s0, $0x1;
	[smem:$0x7FF] =	sst s2;
	s11 =	smul.u32 $0x3200, s6  }
0x7: {  	s3 =	sor.u32 s6, s29;
	s10 =	ssub.s32 $0x2, s6;
	s30 =	smul.u32 $0x190000, s6  }
0x8: {  	_ =	strace $0x80000047;
	s5 =	smul.u32 $0x3200, s3;
	s12 =	sshrl.u32 s10, $0x1  }
0x9: {  	s3 =	sadd.s32 $0x19A00, s4;
	s10 =	ssub.s32 s10, s12;
	s7 =	sadd.s32 s8, s7  }
0xa: {  	s31 =	sadd.s32 s11, s9;
	s9 =	sadd.s32 s30, s13;
	s11 =	simm.s32 $0x200  }
0xb: {  	s12 =	simm.s32 $0x3200;
	s13 =	simm.s32 $0x1;
	s5 =	sshrl.u32 s5, $0x3  }
0xc: {  	s6 =	smax.u32 s10, $0x1;
	s8 =	sshrl.u32 s31, $0x5;
	s5 =	sadd.s32 s5, s4  }
0xd: {  	s10 =	simm.s32 $0x2;
	s4 =	sadd.s32 $0x3F9A00, s4;
	s5 =	sadd.s32 $0xA00, s5  }
.LBB2_1:
0xe: {  	[tilespmem:s2], [sflag:$0x2] =	stream.linear.gather [hbm4b:s5+s2], $0x3200, $0x38;
	[tilespmem:$0x7200] =	vst v63  }
0xf: {  	s17 =	sand.u32 $0x7FFE0000, s7;
	_ =	swait.ge [sflag:s10], $0x3200  }
0x10: {  	s18 =	sand.u32 $0x10000, s9;
	s19 =	sadd.s32 $0x0, s8;
	[sflag:s10] =	ssyncset.done $0x0  }
0x11: {  	s17 =	sor.u32 s18, s17;
	s31 =	sand.u32 $0x60, s19;
	[sflag:s10] =	ssyncadd.s32 $0xFFFFCE00  }
0x12: {  	[tilespmem:s12], [sflag:$0x1] =	stream.indirect.gather [hbm4b:s3+s11], $0x20, s2, s11, $0xb8;
	[tilespmem:$0x7200] =	vst v63  }
0x13: {  	s17 =	sor.u32 s31, s17;
	_ =	swait.ge [sflag:s13], $0x4000  }
0x14: {  	s17 =	sshrl.u32 s17, $0x3;
	[sflag:s13] =	ssyncset.done $0x0  }
0x15: {  	s17 =	sadd.s32 s4, s17;
	[sflag:s13] =	ssyncadd.s32 $0xFFFFC000  }
0x16: {  	[hbm4b:s17+s14] =	stream.strided.scatter [tilespmem:s12], [sflag:$0x2], $0x4000, s15, s14, $0x38;
	[tilespmem:$0x7200] =	vst v63  }
0x17: {  	s20 =	smov.u32 s7;
	s18 =	sadd.s32 $0x10000, s9;
	_ =	swait.ge [sflag:s10], $0x4000  }
0x18: {  	s19 =	simm.s32 $0x0;
	s17 =	simm.s32 $0x10;
	[sflag:s10] =	ssyncset.done $0x0  }
.LBB2_2:
0x19: {  	[sflag:s10] =	ssyncadd.s32 $0xFFFFC000;
	s19 =	sadd.s32 $0x200, s19;
	s20 =	sadd.s32 $0x4000, s20  }
0x1a: {  	[tilespmem:s12], [sflag:$0x1] =	stream.indirect.gather [hbm4b:s3+s11], $0x20, s19, s11, $0xb8;
	[tilespmem:$0x7200] =	vst v63  }
0x1b: {  	s22 =	sand.u32 $0x10000, s18;
	s23 =	sadd.s32 s17, s8;
	s21 =	sand.u32 $0x7FFE0000, s20  }
0x1c: {  	p0 =	sne.s32 s17, $0x180;
	s21 =	sor.u32 s22, s21;
	s22 =	sand.u32 $0x60, s23  }
0x1d: {  	s17 =	sadd.s32 $0x10, s17;
	s21 =	sor.u32 s22, s21;
	_ =	swait.ge [sflag:s13], $0x4000  }
.Ltmp0:
0x1e: {  	s21 =	sshrl.u32 s21, $0x3;
	[sflag:s13] =	ssyncset.done $0x0;
	(pc) =	sbr.rel @p0 .LBB2_2-.Ltmp0, $4  }
0x1f: {  	s21 =	sadd.s32 s4, s21;
	[sflag:s13] =	ssyncadd.s32 $0xFFFFC000  }
0x20: {  	[hbm4b:s21+s14] =	stream.strided.scatter [tilespmem:s12], [sflag:$0x2], $0x4000, s15, s14, $0x38;
	[tilespmem:$0x7200] =	vst v63  }
0x21: {  	_ =	swait.ge [sflag:s10], $0x4000  }
0x22: {  	s18 =	sadd.s32 $0x10000, s18;
	[sflag:s10] =	ssyncset.done $0x0  }
0x23: {  	s16 =	sadd.s32 $0x1, s16  }
0x24: {  	p0 =	sne.s32 s16, s6  }
.Ltmp1:
0x25: {  	_ = 	snop;
	(pc) =	sbr.rel @p0 .LBB2_1-.Ltmp1, $2  }
0x26: {  	_ =	sdelay $0x2  }
0x27: {  	[sflag:s10] =	ssyncadd.s32 $0xFFFFC000  }
0x28: {  	_ =	sfence.sel $0x180000  }
0x29: {  	[bflag:$0x0] =	sbarrier.arrive $0xFFFF  }
0x2a: {  	p0 =	sne.s32 s0, $0x0;
	_ =	strace $0x90000047  }
0x2b: {  	s0 =	sadd.s32 @!p0 $0x100000, s1;
	[bflag:$0x2] =	sbarrier.arrive $0xFFFF  }
0x2c: {  	[sflag:s0] =	ssyncadd.tile.s32 @!p0 $0x1;
	_ =	shalt  }
.Lfunc_end2:
_tile_overlayer_lowered:
.L_overlay_start_2:
0x2d: {  	(tag) =	ssettag $0x2  }
0x2e: {  	s0 =	rddreg [dreg:$0x0];
	s2 =	stileid.u32  }
0x2f: {  	s1 =	rddreg [dreg:$0x1];
	p0 =	sne.s32 s2, $0x0  }
0x30: {  	s3 =	rddreg [dreg:$0x2];
	[bflag:$0x3] =	sbarrier.arrive $0xFFFF;
	s2 =	simm.s32 @!p0 $0x1C02  }
0x31: {  	[timem:s3], [sflag:s2] =	dma.local @!p0 [hbm:s0], s1  }
0x32: {  	s0 =	simm.s32 @!p0 $0x2  }
0x33: {  	_ =	swait.ge @!p0 [sflag:s0], s1  }
0x34: {  	s1 =	ssub.s32 @!p0 $0x0, s1;
	[sflag:s0] =	ssyncset.done @!p0 $0x0  }
0x35: {  	[sflag:s0] =	ssyncadd.s32 @!p0 s1  }
0x36: {  	[bflag:$0x3] =	sbarrier.arrive $0xFFFF  }
0x37: {  	_ =	shalt  }

</sc_bundles>
